<compile_context>
chip_gen: v7x
topology: tpu7x:2x2x1
jax: 0.10.2.dev20260603
libtpu: 0.0.44.dev20260713+nightly
codegen_flags: <defaults>
</compile_context>

<pallas_src>
import functools

import jax
import jax.numpy as jnp
from jax import lax
from jax.experimental import pallas as pl
from jax.experimental.pallas import tpu as pltpu
from jax.experimental.pallas import tpu_sc as plsc

BATCH = 16384
NUM_FIELDS = 26
EMBED_DIM = 32
NTOT = BATCH * NUM_FIELDS
NUM_CORES = 2
NUM_SUBCORES = 16
NW = NUM_CORES * NUM_SUBCORES
PER_W = NTOT // NW
G = 128
NG = PER_W // G
GSZ = 8
GROW = G * GSZ
GROUPS = NG // GSZ
NBUF = 3

_mesh = plsc.VectorSubcoreMesh(core_axis_name="c", subcore_axis_name="s")


@functools.partial(
    pl.kernel,
    out_type=jax.ShapeDtypeStruct((NTOT, EMBED_DIM), jnp.float32),
    mesh=_mesh,
    scratch_types=[
        pltpu.VMEM((PER_W,), jnp.int32),
        pltpu.VMEM((GROW, EMBED_DIM), jnp.float32),
        pltpu.VMEM((GROW, EMBED_DIM), jnp.float32),
        pltpu.VMEM((GROW, EMBED_DIM), jnp.float32),
        pltpu.SemaphoreType.DMA,
        pltpu.SemaphoreType.DMA,
        pltpu.SemaphoreType.DMA,
        pltpu.SemaphoreType.DMA,
        pltpu.SemaphoreType.DMA,
        pltpu.SemaphoreType.DMA,
    ],
    compiler_params=pltpu.CompilerParams(use_tc_tiling_on_sc=False),
)
def _sc_gather(idx_hbm, table_hbm, out_hbm, idx_v,
               buf0, buf1, buf2, g0, g1, g2, s0, s1, s2):
    wid = lax.axis_index("s") * NUM_CORES + lax.axis_index("c")
    base = wid * PER_W
    pltpu.sync_copy(idx_hbm.at[pl.ds(wid * PER_W, PER_W)], idx_v)
    bufs = (buf0, buf1, buf2)
    gsems = (g0, g1, g2)
    ssems = (s0, s1, s2)

    def fire(grp, buf, gsem):
        for j in range(GSZ):
            pltpu.async_copy(
                table_hbm.at[idx_v.at[pl.ds((grp * GSZ + j) * G, G)]],
                buf.at[pl.ds(j * G, G)],
                gsem,
            )

    def drain_gather(buf, gsem):
        pltpu.make_async_copy(table_hbm.at[pl.ds(0, GROW)], buf, gsem).wait()

    def wait_store(buf, ssem):
        pltpu.make_async_copy(buf, out_hbm.at[pl.ds(0, GROW)], ssem).wait()

    for b in range(NBUF):
        fire(b, bufs[b], gsems[b])

    @pl.loop(0, GROUPS + (-GROUPS) % NBUF, step=NBUF)
    def _(g):
        for b in range(NBUF):
            grp = g + b

            @pl.when(grp < GROUPS)
            def _():
                drain_gather(bufs[b], gsems[b])
                pltpu.async_copy(
                    bufs[b],
                    out_hbm.at[pl.ds(base + grp * GROW, GROW)],
                    ssems[b],
                )
                nxt = grp + NBUF

                @pl.when(nxt < GROUPS)
                def _():
                    wait_store(bufs[b], ssems[b])
                    fire(nxt, bufs[b], gsems[b])

    for b in range(NBUF):
        wait_store(bufs[b], ssems[b])


def kernel(indices, table):
    idx = indices.reshape(NTOT)
    out = _sc_gather(idx, table)
    return out.reshape(BATCH, NUM_FIELDS * EMBED_DIM)

# --- scband reference (transcript-rebuilt; emitter-appended) ---
"""Pipeline reference for scband-tdmembedding-29832842838363 (READ-ONLY COPY).

The authoritative reference and input builder live on the scoring server;
editing this copy changes nothing except your own understanding.
"""

import jax, jax.numpy as jnp
import numpy as np

BATCH = 16384
NUM_FIELDS = 26
VOCAB = 1000000
EMBED_DIM = 32


def setup_inputs(seed: int = 0) -> dict:
    key = jax.random.key(seed)
    k_idx, k_tab = jax.random.split(key)
    indices = jax.random.randint(k_idx, (BATCH, NUM_FIELDS), 0, VOCAB, dtype=jnp.int32)
    table = jax.random.normal(k_tab, (VOCAB, EMBED_DIM), dtype=jnp.float32) * 0.01
    return {"indices": indices, "table": table}


def reference(indices, table):
    # TDMEmbedding.predict: embedding-group lookup of the sequence-group query
    # (item-side) features, concatenated per sample -> 'item_emb'.
    emb = jnp.take(table, indices, axis=0)  # [B, F, D] gather
    item_emb = emb.reshape(indices.shape[0], NUM_FIELDS * EMBED_DIM)
    return item_emb

if __name__ == "__main__":
    import jax
    _d = setup_inputs()
    print(jax.jit(kernel)(*tuple(_d.values())))

</pallas_src>

<mosaic_0001>
#map = affine_map<(d0, d1) -> (0)>
#map1 = affine_map<(d0, d1) -> (0, 0)>
module attributes {stable_mosaic.version = 14 : i64} {
  func.func @_sc_gather(%arg0: i32, %arg1: i32, %arg2: memref<425984xi32, #tpu.memory_space<hbm>>, %arg3: memref<1000000x32xf32, #tpu.memory_space<hbm>>, %arg4: memref<425984x32xf32, #tpu.memory_space<hbm>>, %arg5: memref<13312xi32, #tpu.memory_space<vmem>>, %arg6: memref<1024x32xf32, #tpu.memory_space<vmem>>, %arg7: memref<1024x32xf32, #tpu.memory_space<vmem>>, %arg8: memref<1024x32xf32, #tpu.memory_space<vmem>>, %arg9: memref<!tpu.dma_semaphore, #tpu.memory_space<semaphore_mem>>, %arg10: memref<!tpu.dma_semaphore, #tpu.memory_space<semaphore_mem>>, %arg11: memref<!tpu.dma_semaphore, #tpu.memory_space<semaphore_mem>>, %arg12: memref<!tpu.dma_semaphore, #tpu.memory_space<semaphore_mem>>, %arg13: memref<!tpu.dma_semaphore, #tpu.memory_space<semaphore_mem>>, %arg14: memref<!tpu.dma_semaphore, #tpu.memory_space<semaphore_mem>>) attributes {dimension_semantics = [#tpu.dimension_semantics<core_parallel>, #tpu.dimension_semantics<subcore_parallel>], iteration_bounds = array<i64: 2, 16>, scalar_prefetch = 0 : i64, scratch_operands = 10 : i64, tpu.core_type = #tpu.core_type<sc_vector_subcore>, window_params = [{transform_indices = #map}, {transform_indices = #map1}, {transform_indices = #map1}]} {
    %mul3A = arith.constant 2 : i32
    %mul3A_0 = arith.muli %arg1, %mul3A : i32
    %add3A = arith.addi %mul3A_0, %arg0 : i32
    %mul3A_1 = arith.constant 13312 : i32
    %mul3A_2 = arith.muli %add3A, %mul3A_1 : i32
    %mul3A_3 = arith.constant 13312 : i32
    %mul3A_4 = arith.muli %add3A, %mul3A_3 : i32
    "tpu.region"() ({
      %run_scoped3A = tpu.sem_alloc : memref<!tpu.dma_semaphore, #tpu.memory_space<semaphore_mem>>
      %dma_start3A_217 = tpu.memref_slice %arg2[%mul3A_4] : memref<425984xi32, #tpu.memory_space<hbm>> -> memref<13312xi32, #tpu.memory_space<hbm>>
      %dma_start3A_218 = tpu.memref_slice %arg2[%mul3A_4] : memref<425984xi32, #tpu.memory_space<hbm>> -> memref<13312xi32, #tpu.memory_space<hbm>>
      tpu.enqueue_dma source(%dma_start3A_218 : memref<13312xi32, #tpu.memory_space<hbm>>) target(%arg5 : memref<13312xi32, #tpu.memory_space<vmem>>) target_semaphore(%run_scoped3A : memref<!tpu.dma_semaphore, #tpu.memory_space<semaphore_mem>>)
      %dma_wait3A_219 = tpu.memref_slice %arg2[%mul3A_4] : memref<425984xi32, #tpu.memory_space<hbm>> -> memref<13312xi32, #tpu.memory_space<hbm>>
      %dma_wait3A_220 = tpu.memref_slice %arg2[%mul3A_4] : memref<425984xi32, #tpu.memory_space<hbm>> -> memref<13312xi32, #tpu.memory_space<hbm>>
      tpu.wait_dma2 semaphore(%run_scoped3A : memref<!tpu.dma_semaphore, #tpu.memory_space<semaphore_mem>>) src(%dma_wait3A_220 : memref<13312xi32, #tpu.memory_space<hbm>>) dst(%arg5 : memref<13312xi32, #tpu.memory_space<vmem>>)
      tpu.yield
    }) : () -> ()
    %dma_start3A = arith.constant 0 : i32
    %dma_start3A_5 = arith.constant 0 : i32
    %dma_start3A_6 = tpu.memref_slice %arg6[%dma_start3A, %dma_start3A_5] : memref<1024x32xf32, #tpu.memory_space<vmem>> -> memref<128x32xf32, #tpu.memory_space<vmem>>
    %dma_start3A_7 = arith.constant 0 : i32
    %dma_start3A_8 = tpu.memref_slice %arg5[%dma_start3A_7] : memref<13312xi32, #tpu.memory_space<vmem>> -> memref<128xi32, #tpu.memory_space<vmem>>
    %dma_start3A_9 = arith.constant 0 : i32
    %dma_start3A_10 = arith.constant 0 : i32
    %dma_start3A_11 = tpu.memref_slice %arg3[%dma_start3A_9, %dma_start3A_10] : memref<1000000x32xf32, #tpu.memory_space<hbm>> -> memref<1000000x32xf32, #tpu.memory_space<hbm>>
    tpu.enqueue_indirect_dma source(%dma_start3A_11 : memref<1000000x32xf32, #tpu.memory_space<hbm>>) target(%dma_start3A_6 : memref<128x32xf32, #tpu.memory_space<vmem>>) offsets(%dma_start3A_8 : memref<128xi32, #tpu.memory_space<vmem>>) semaphore(%arg9 : memref<!tpu.dma_semaphore, #tpu.memory_space<semaphore_mem>>)
    %dma_start3A_12 = arith.constant 128 : i32
    %dma_start3A_13 = arith.constant 0 : i32
    %dma_start3A_14 = tpu.memref_slice %arg6[%dma_start3A_12, %dma_start3A_13] : memref<1024x32xf32, #tpu.memory_space<vmem>> -> memref<128x32xf32, #tpu.memory_space<vmem>>
    %dma_start3A_15 = arith.constant 128 : i32
    %dma_start3A_16 = tpu.memref_slice %arg5[%dma_start3A_15] : memref<13312xi32, #tpu.memory_space<vmem>> -> memref<128xi32, #tpu.memory_space<vmem>>
    %dma_start3A_17 = arith.constant 0 : i32
    %dma_start3A_18 = arith.constant 0 : i32
    %dma_start3A_19 = tpu.memref_slice %arg3[%dma_start3A_17, %dma_start3A_18] : memref<1000000x32xf32, #tpu.memory_space<hbm>> -> memref<1000000x32xf32, #tpu.memory_space<hbm>>
    tpu.enqueue_indirect_dma source(%dma_start3A_19 : memref<1000000x32xf32, #tpu.memory_space<hbm>>) target(%dma_start3A_14 : memref<128x32xf32, #tpu.memory_space<vmem>>) offsets(%dma_start3A_16 : memref<128xi32, #tpu.memory_space<vmem>>) semaphore(%arg9 : memref<!tpu.dma_semaphore, #tpu.memory_space<semaphore_mem>>)
    %dma_start3A_20 = arith.constant 256 : i32
    %dma_start3A_21 = arith.constant 0 : i32
    %dma_start3A_22 = tpu.memref_slice %arg6[%dma_start3A_20, %dma_start3A_21] : memref<1024x32xf32, #tpu.memory_space<vmem>> -> memref<128x32xf32, #tpu.memory_space<vmem>>
    %dma_start3A_23 = arith.constant 256 : i32
    %dma_start3A_24 = tpu.memref_slice %arg5[%dma_start3A_23] : memref<13312xi32, #tpu.memory_space<vmem>> -> memref<128xi32, #tpu.memory_space<vmem>>
    %dma_start3A_25 = arith.constant 0 : i32
    %dma_start3A_26 = arith.constant 0 : i32
    %dma_start3A_27 = tpu.memref_slice %arg3[%dma_start3A_25, %dma_start3A_26] : memref<1000000x32xf32, #tpu.memory_space<hbm>> -> memref<1000000x32xf32, #tpu.memory_space<hbm>>
    tpu.enqueue_indirect_dma source(%dma_start3A_27 : memref<1000000x32xf32, #tpu.memory_space<hbm>>) target(%dma_start3A_22 : memref<128x32xf32, #tpu.memory_space<vmem>>) offsets(%dma_start3A_24 : memref<128xi32, #tpu.memory_space<vmem>>) semaphore(%arg9 : memref<!tpu.dma_semaphore, #tpu.memory_space<semaphore_mem>>)
    %dma_start3A_28 = arith.constant 384 : i32
    %dma_start3A_29 = arith.constant 0 : i32
    %dma_start3A_30 = tpu.memref_slice %arg6[%dma_start3A_28, %dma_start3A_29] : memref<1024x32xf32, #tpu.memory_space<vmem>> -> memref<128x32xf32, #tpu.memory_space<vmem>>
    %dma_start3A_31 = arith.constant 384 : i32
    %dma_start3A_32 = tpu.memref_slice %arg5[%dma_start3A_31] : memref<13312xi32, #tpu.memory_space<vmem>> -> memref<128xi32, #tpu.memory_space<vmem>>
    %dma_start3A_33 = arith.constant 0 : i32
    %dma_start3A_34 = arith.constant 0 : i32
    %dma_start3A_35 = tpu.memref_slice %arg3[%dma_start3A_33, %dma_start3A_34] : memref<1000000x32xf32, #tpu.memory_space<hbm>> -> memref<1000000x32xf32, #tpu.memory_space<hbm>>
    tpu.enqueue_indirect_dma source(%dma_start3A_35 : memref<1000000x32xf32, #tpu.memory_space<hbm>>) target(%dma_start3A_30 : memref<128x32xf32, #tpu.memory_space<vmem>>) offsets(%dma_start3A_32 : memref<128xi32, #tpu.memory_space<vmem>>) semaphore(%arg9 : memref<!tpu.dma_semaphore, #tpu.memory_space<semaphore_mem>>)
    %dma_start3A_36 = arith.constant 512 : i32
    %dma_start3A_37 = arith.constant 0 : i32
    %dma_start3A_38 = tpu.memref_slice %arg6[%dma_start3A_36, %dma_start3A_37] : memref<1024x32xf32, #tpu.memory_space<vmem>> -> memref<128x32xf32, #tpu.memory_space<vmem>>
    %dma_start3A_39 = arith.constant 512 : i32
    %dma_start3A_40 = tpu.memref_slice %arg5[%dma_start3A_39] : memref<13312xi32, #tpu.memory_space<vmem>> -> memref<128xi32, #tpu.memory_space<vmem>>
    %dma_start3A_41 = arith.constant 0 : i32
    %dma_start3A_42 = arith.constant 0 : i32
    %dma_start3A_43 = tpu.memref_slice %arg3[%dma_start3A_41, %dma_start3A_42] : memref<1000000x32xf32, #tpu.memory_space<hbm>> -> memref<1000000x32xf32, #tpu.memory_space<hbm>>
    tpu.enqueue_indirect_dma source(%dma_start3A_43 : memref<1000000x32xf32, #tpu.memory_space<hbm>>) target(%dma_start3A_38 : memref<128x32xf32, #tpu.memory_space<vmem>>) offsets(%dma_start3A_40 : memref<128xi32, #tpu.memory_space<vmem>>) semaphore(%arg9 : memref<!tpu.dma_semaphore, #tpu.memory_space<semaphore_mem>>)
    %dma_start3A_44 = arith.constant 640 : i32
    %dma_start3A_45 = arith.constant 0 : i32
    %dma_start3A_46 = tpu.memref_slice %arg6[%dma_start3A_44, %dma_start3A_45] : memref<1024x32xf32, #tpu.memory_space<vmem>> -> memref<128x32xf32, #tpu.memory_space<vmem>>
    %dma_start3A_47 = arith.constant 640 : i32
    %dma_start3A_48 = tpu.memref_slice %arg5[%dma_start3A_47] : memref<13312xi32, #tpu.memory_space<vmem>> -> memref<128xi32, #tpu.memory_space<vmem>>
    %dma_start3A_49 = arith.constant 0 : i32
    %dma_start3A_50 = arith.constant 0 : i32
    %dma_start3A_51 = tpu.memref_slice %arg3[%dma_start3A_49, %dma_start3A_50] : memref<1000000x32xf32, #tpu.memory_space<hbm>> -> memref<1000000x32xf32, #tpu.memory_space<hbm>>
    tpu.enqueue_indirect_dma source(%dma_start3A_51 : memref<1000000x32xf32, #tpu.memory_space<hbm>>) target(%dma_start3A_46 : memref<128x32xf32, #tpu.memory_space<vmem>>) offsets(%dma_start3A_48 : memref<128xi32, #tpu.memory_space<vmem>>) semaphore(%arg9 : memref<!tpu.dma_semaphore, #tpu.memory_space<semaphore_mem>>)
    %dma_start3A_52 = arith.constant 768 : i32
    %dma_start3A_53 = arith.constant 0 : i32
    %dma_start3A_54 = tpu.memref_slice %arg6[%dma_start3A_52, %dma_start3A_53] : memref<1024x32xf32, #tpu.memory_space<vmem>> -> memref<128x32xf32, #tpu.memory_space<vmem>>
    %dma_start3A_55 = arith.constant 768 : i32
    %dma_start3A_56 = tpu.memref_slice %arg5[%dma_start3A_55] : memref<13312xi32, #tpu.memory_space<vmem>> -> memref<128xi32, #tpu.memory_space<vmem>>
    %dma_start3A_57 = arith.constant 0 : i32
    %dma_start3A_58 = arith.constant 0 : i32
    %dma_start3A_59 = tpu.memref_slice %arg3[%dma_start3A_57, %dma_start3A_58] : memref<1000000x32xf32, #tpu.memory_space<hbm>> -> memref<1000000x32xf32, #tpu.memory_space<hbm>>
    tpu.enqueue_indirect_dma source(%dma_start3A_59 : memref<1000000x32xf32, #tpu.memory_space<hbm>>) target(%dma_start3A_54 : memref<128x32xf32, #tpu.memory_space<vmem>>) offsets(%dma_start3A_56 : memref<128xi32, #tpu.memory_space<vmem>>) semaphore(%arg9 : memref<!tpu.dma_semaphore, #tpu.memory_space<semaphore_mem>>)
    %dma_start3A_60 = arith.constant 896 : i32
    %dma_start3A_61 = arith.constant 0 : i32
    %dma_start3A_62 = tpu.memref_slice %arg6[%dma_start3A_60, %dma_start3A_61] : memref<1024x32xf32, #tpu.memory_space<vmem>> -> memref<128x32xf32, #tpu.memory_space<vmem>>
    %dma_start3A_63 = arith.constant 896 : i32
    %dma_start3A_64 = tpu.memref_slice %arg5[%dma_start3A_63] : memref<13312xi32, #tpu.memory_space<vmem>> -> memref<128xi32, #tpu.memory_space<vmem>>
    %dma_start3A_65 = arith.constant 0 : i32
    %dma_start3A_66 = arith.constant 0 : i32
    %dma_start3A_67 = tpu.memref_slice %arg3[%dma_start3A_65, %dma_start3A_66] : memref<1000000x32xf32, #tpu.memory_space<hbm>> -> memref<1000000x32xf32, #tpu.memory_space<hbm>>
    tpu.enqueue_indirect_dma source(%dma_start3A_67 : memref<1000000x32xf32, #tpu.memory_space<hbm>>) target(%dma_start3A_62 : memref<128x32xf32, #tpu.memory_space<vmem>>) offsets(%dma_start3A_64 : memref<128xi32, #tpu.memory_space<vmem>>) semaphore(%arg9 : memref<!tpu.dma_semaphore, #tpu.memory_space<semaphore_mem>>)
    %dma_start3A_68 = arith.constant 0 : i32
    %dma_start3A_69 = arith.constant 0 : i32
    %dma_start3A_70 = tpu.memref_slice %arg7[%dma_start3A_68, %dma_start3A_69] : memref<1024x32xf32, #tpu.memory_space<vmem>> -> memref<128x32xf32, #tpu.memory_space<vmem>>
    %dma_start3A_71 = arith.constant 1024 : i32
    %dma_start3A_72 = tpu.memref_slice %arg5[%dma_start3A_71] : memref<13312xi32, #tpu.memory_space<vmem>> -> memref<128xi32, #tpu.memory_space<vmem>>
    %dma_start3A_73 = arith.constant 0 : i32
    %dma_start3A_74 = arith.constant 0 : i32
    %dma_start3A_75 = tpu.memref_slice %arg3[%dma_start3A_73, %dma_start3A_74] : memref<1000000x32xf32, #tpu.memory_space<hbm>> -> memref<1000000x32xf32, #tpu.memory_space<hbm>>
    tpu.enqueue_indirect_dma source(%dma_start3A_75 : memref<1000000x32xf32, #tpu.memory_space<hbm>>) target(%dma_start3A_70 : memref<128x32xf32, #tpu.memory_space<vmem>>) offsets(%dma_start3A_72 : memref<128xi32, #tpu.memory_space<vmem>>) semaphore(%arg10 : memref<!tpu.dma_semaphore, #tpu.memory_space<semaphore_mem>>)
    %dma_start3A_76 = arith.constant 128 : i32
    %dma_start3A_77 = arith.constant 0 : i32
    %dma_start3A_78 = tpu.memref_slice %arg7[%dma_start3A_76, %dma_start3A_77] : memref<1024x32xf32, #tpu.memory_space<vmem>> -> memref<128x32xf32, #tpu.memory_space<vmem>>
    %dma_start3A_79 = arith.constant 1152 : i32
    %dma_start3A_80 = tpu.memref_slice %arg5[%dma_start3A_79] : memref<13312xi32, #tpu.memory_space<vmem>> -> memref<128xi32, #tpu.memory_space<vmem>>
    %dma_start3A_81 = arith.constant 0 : i32
    %dma_start3A_82 = arith.constant 0 : i32
    %dma_start3A_83 = tpu.memref_slice %arg3[%dma_start3A_81, %dma_start3A_82] : memref<1000000x32xf32, #tpu.memory_space<hbm>> -> memref<1000000x32xf32, #tpu.memory_space<hbm>>
    tpu.enqueue_indirect_dma source(%dma_start3A_83 : memref<1000000x32xf32, #tpu.memory_space<hbm>>) target(%dma_start3A_78 : memref<128x32xf32, #tpu.memory_space<vmem>>) offsets(%dma_start3A_80 : memref<128xi32, #tpu.memory_space<vmem>>) semaphore(%arg10 : memref<!tpu.dma_semaphore, #tpu.memory_space<semaphore_mem>>)
    %dma_start3A_84 = arith.constant 256 : i32
    %dma_start3A_85 = arith.constant 0 : i32
    %dma_start3A_86 = tpu.memref_slice %arg7[%dma_start3A_84, %dma_start3A_85] : memref<1024x32xf32, #tpu.memory_space<vmem>> -> memref<128x32xf32, #tpu.memory_space<vmem>>
    %dma_start3A_87 = arith.constant 1280 : i32
    %dma_start3A_88 = tpu.memref_slice %arg5[%dma_start3A_87] : memref<13312xi32, #tpu.memory_space<vmem>> -> memref<128xi32, #tpu.memory_space<vmem>>
    %dma_start3A_89 = arith.constant 0 : i32
    %dma_start3A_90 = arith.constant 0 : i32
    %dma_start3A_91 = tpu.memref_slice %arg3[%dma_start3A_89, %dma_start3A_90] : memref<1000000x32xf32, #tpu.memory_space<hbm>> -> memref<1000000x32xf32, #tpu.memory_space<hbm>>
    tpu.enqueue_indirect_dma source(%dma_start3A_91 : memref<1000000x32xf32, #tpu.memory_space<hbm>>) target(%dma_start3A_86 : memref<128x32xf32, #tpu.memory_space<vmem>>) offsets(%dma_start3A_88 : memref<128xi32, #tpu.memory_space<vmem>>) semaphore(%arg10 : memref<!tpu.dma_semaphore, #tpu.memory_space<semaphore_mem>>)
    %dma_start3A_92 = arith.constant 384 : i32
    %dma_start3A_93 = arith.constant 0 : i32
    %dma_start3A_94 = tpu.memref_slice %arg7[%dma_start3A_92, %dma_start3A_93] : memref<1024x32xf32, #tpu.memory_space<vmem>> -> memref<128x32xf32, #tpu.memory_space<vmem>>
    %dma_start3A_95 = arith.constant 1408 : i32
    %dma_start3A_96 = tpu.memref_slice %arg5[%dma_start3A_95] : memref<13312xi32, #tpu.memory_space<vmem>> -> memref<128xi32, #tpu.memory_space<vmem>>
    %dma_start3A_97 = arith.constant 0 : i32
    %dma_start3A_98 = arith.constant 0 : i32
    %dma_start3A_99 = tpu.memref_slice %arg3[%dma_start3A_97, %dma_start3A_98] : memref<1000000x32xf32, #tpu.memory_space<hbm>> -> memref<1000000x32xf32, #tpu.memory_space<hbm>>
    tpu.enqueue_indirect_dma source(%dma_start3A_99 : memref<1000000x32xf32, #tpu.memory_space<hbm>>) target(%dma_start3A_94 : memref<128x32xf32, #tpu.memory_space<vmem>>) offsets(%dma_start3A_96 : memref<128xi32, #tpu.memory_space<vmem>>) semaphore(%arg10 : memref<!tpu.dma_semaphore, #tpu.memory_space<semaphore_mem>>)
    %dma_start3A_100 = arith.constant 512 : i32
    %dma_start3A_101 = arith.constant 0 : i32
    %dma_start3A_102 = tpu.memref_slice %arg7[%dma_start3A_100, %dma_start3A_101] : memref<1024x32xf32, #tpu.memory_space<vmem>> -> memref<128x32xf32, #tpu.memory_space<vmem>>
    %dma_start3A_103 = arith.constant 1536 : i32
    %dma_start3A_104 = tpu.memref_slice %arg5[%dma_start3A_103] : memref<13312xi32, #tpu.memory_space<vmem>> -> memref<128xi32, #tpu.memory_space<vmem>>
    %dma_start3A_105 = arith.constant 0 : i32
    %dma_start3A_106 = arith.constant 0 : i32
    %dma_start3A_107 = tpu.memref_slice %arg3[%dma_start3A_105, %dma_start3A_106] : memref<1000000x32xf32, #tpu.memory_space<hbm>> -> memref<1000000x32xf32, #tpu.memory_space<hbm>>
    tpu.enqueue_indirect_dma source(%dma_start3A_107 : memref<1000000x32xf32, #tpu.memory_space<hbm>>) target(%dma_start3A_102 : memref<128x32xf32, #tpu.memory_space<vmem>>) offsets(%dma_start3A_104 : memref<128xi32, #tpu.memory_space<vmem>>) semaphore(%arg10 : memref<!tpu.dma_semaphore, #tpu.memory_space<semaphore_mem>>)
    %dma_start3A_108 = arith.constant 640 : i32
    %dma_start3A_109 = arith.constant 0 : i32
    %dma_start3A_110 = tpu.memref_slice %arg7[%dma_start3A_108, %dma_start3A_109] : memref<1024x32xf32, #tpu.memory_space<vmem>> -> memref<128x32xf32, #tpu.memory_space<vmem>>
    %dma_start3A_111 = arith.constant 1664 : i32
    %dma_start3A_112 = tpu.memref_slice %arg5[%dma_start3A_111] : memref<13312xi32, #tpu.memory_space<vmem>> -> memref<128xi32, #tpu.memory_space<vmem>>
    %dma_start3A_113 = arith.constant 0 : i32
    %dma_start3A_114 = arith.constant 0 : i32
    %dma_start3A_115 = tpu.memref_slice %arg3[%dma_start3A_113, %dma_start3A_114] : memref<1000000x32xf32, #tpu.memory_space<hbm>> -> memref<1000000x32xf32, #tpu.memory_space<hbm>>
    tpu.enqueue_indirect_dma source(%dma_start3A_115 : memref<1000000x32xf32, #tpu.memory_space<hbm>>) target(%dma_start3A_110 : memref<128x32xf32, #tpu.memory_space<vmem>>) offsets(%dma_start3A_112 : memref<128xi32, #tpu.memory_space<vmem>>) semaphore(%arg10 : memref<!tpu.dma_semaphore, #tpu.memory_space<semaphore_mem>>)
    %dma_start3A_116 = arith.constant 768 : i32
    %dma_start3A_117 = arith.constant 0 : i32
    %dma_start3A_118 = tpu.memref_slice %arg7[%dma_start3A_116, %dma_start3A_117] : memref<1024x32xf32, #tpu.memory_space<vmem>> -> memref<128x32xf32, #tpu.memory_space<vmem>>
    %dma_start3A_119 = arith.constant 1792 : i32
    %dma_start3A_120 = tpu.memref_slice %arg5[%dma_start3A_119] : memref<13312xi32, #tpu.memory_space<vmem>> -> memref<128xi32, #tpu.memory_space<vmem>>
    %dma_start3A_121 = arith.constant 0 : i32
    %dma_start3A_122 = arith.constant 0 : i32
    %dma_start3A_123 = tpu.memref_slice %arg3[%dma_start3A_121, %dma_start3A_122] : memref<1000000x32xf32, #tpu.memory_space<hbm>> -> memref<1000000x32xf32, #tpu.memory_space<hbm>>
    tpu.enqueue_indirect_dma source(%dma_start3A_123 : memref<1000000x32xf32, #tpu.memory_space<hbm>>) target(%dma_start3A_118 : memref<128x32xf32, #tpu.memory_space<vmem>>) offsets(%dma_start3A_120 : memref<128xi32, #tpu.memory_space<vmem>>) semaphore(%arg10 : memref<!tpu.dma_semaphore, #tpu.memory_space<semaphore_mem>>)
    %dma_start3A_124 = arith.constant 896 : i32
    %dma_start3A_125 = arith.constant 0 : i32
    %dma_start3A_126 = tpu.memref_slice %arg7[%dma_start3A_124, %dma_start3A_125] : memref<1024x32xf32, #tpu.memory_space<vmem>> -> memref<128x32xf32, #tpu.memory_space<vmem>>
    %dma_start3A_127 = arith.constant 1920 : i32
    %dma_start3A_128 = tpu.memref_slice %arg5[%dma_start3A_127] : memref<13312xi32, #tpu.memory_space<vmem>> -> memref<128xi32, #tpu.memory_space<vmem>>
    %dma_start3A_129 = arith.constant 0 : i32
    %dma_start3A_130 = arith.constant 0 : i32
    %dma_start3A_131 = tpu.memref_slice %arg3[%dma_start3A_129, %dma_start3A_130] : memref<1000000x32xf32, #tpu.memory_space<hbm>> -> memref<1000000x32xf32, #tpu.memory_space<hbm>>
    tpu.enqueue_indirect_dma source(%dma_start3A_131 : memref<1000000x32xf32, #tpu.memory_space<hbm>>) target(%dma_start3A_126 : memref<128x32xf32, #tpu.memory_space<vmem>>) offsets(%dma_start3A_128 : memref<128xi32, #tpu.memory_space<vmem>>) semaphore(%arg10 : memref<!tpu.dma_semaphore, #tpu.memory_space<semaphore_mem>>)
    %dma_start3A_132 = arith.constant 0 : i32
    %dma_start3A_133 = arith.constant 0 : i32
    %dma_start3A_134 = tpu.memref_slice %arg8[%dma_start3A_132, %dma_start3A_133] : memref<1024x32xf32, #tpu.memory_space<vmem>> -> memref<128x32xf32, #tpu.memory_space<vmem>>
    %dma_start3A_135 = arith.constant 2048 : i32
    %dma_start3A_136 = tpu.memref_slice %arg5[%dma_start3A_135] : memref<13312xi32, #tpu.memory_space<vmem>> -> memref<128xi32, #tpu.memory_space<vmem>>
    %dma_start3A_137 = arith.constant 0 : i32
    %dma_start3A_138 = arith.constant 0 : i32
    %dma_start3A_139 = tpu.memref_slice %arg3[%dma_start3A_137, %dma_start3A_138] : memref<1000000x32xf32, #tpu.memory_space<hbm>> -> memref<1000000x32xf32, #tpu.memory_space<hbm>>
    tpu.enqueue_indirect_dma source(%dma_start3A_139 : memref<1000000x32xf32, #tpu.memory_space<hbm>>) target(%dma_start3A_134 : memref<128x32xf32, #tpu.memory_space<vmem>>) offsets(%dma_start3A_136 : memref<128xi32, #tpu.memory_space<vmem>>) semaphore(%arg11 : memref<!tpu.dma_semaphore, #tpu.memory_space<semaphore_mem>>)
    %dma_start3A_140 = arith.constant 128 : i32
    %dma_start3A_141 = arith.constant 0 : i32
    %dma_start3A_142 = tpu.memref_slice %arg8[%dma_start3A_140, %dma_start3A_141] : memref<1024x32xf32, #tpu.memory_space<vmem>> -> memref<128x32xf32, #tpu.memory_space<vmem>>
    %dma_start3A_143 = arith.constant 2176 : i32
    %dma_start3A_144 = tpu.memref_slice %arg5[%dma_start3A_143] : memref<13312xi32, #tpu.memory_space<vmem>> -> memref<128xi32, #tpu.memory_space<vmem>>
    %dma_start3A_145 = arith.constant 0 : i32
    %dma_start3A_146 = arith.constant 0 : i32
    %dma_start3A_147 = tpu.memref_slice %arg3[%dma_start3A_145, %dma_start3A_146] : memref<1000000x32xf32, #tpu.memory_space<hbm>> -> memref<1000000x32xf32, #tpu.memory_space<hbm>>
    tpu.enqueue_indirect_dma source(%dma_start3A_147 : memref<1000000x32xf32, #tpu.memory_space<hbm>>) target(%dma_start3A_142 : memref<128x32xf32, #tpu.memory_space<vmem>>) offsets(%dma_start3A_144 : memref<128xi32, #tpu.memory_space<vmem>>) semaphore(%arg11 : memref<!tpu.dma_semaphore, #tpu.memory_space<semaphore_mem>>)
    %dma_start3A_148 = arith.constant 256 : i32
    %dma_start3A_149 = arith.constant 0 : i32
    %dma_start3A_150 = tpu.memref_slice %arg8[%dma_start3A_148, %dma_start3A_149] : memref<1024x32xf32, #tpu.memory_space<vmem>> -> memref<128x32xf32, #tpu.memory_space<vmem>>
    %dma_start3A_151 = arith.constant 2304 : i32
    %dma_start3A_152 = tpu.memref_slice %arg5[%dma_start3A_151] : memref<13312xi32, #tpu.memory_space<vmem>> -> memref<128xi32, #tpu.memory_space<vmem>>
    %dma_start3A_153 = arith.constant 0 : i32
    %dma_start3A_154 = arith.constant 0 : i32
    %dma_start3A_155 = tpu.memref_slice %arg3[%dma_start3A_153, %dma_start3A_154] : memref<1000000x32xf32, #tpu.memory_space<hbm>> -> memref<1000000x32xf32, #tpu.memory_space<hbm>>
    tpu.enqueue_indirect_dma source(%dma_start3A_155 : memref<1000000x32xf32, #tpu.memory_space<hbm>>) target(%dma_start3A_150 : memref<128x32xf32, #tpu.memory_space<vmem>>) offsets(%dma_start3A_152 : memref<128xi32, #tpu.memory_space<vmem>>) semaphore(%arg11 : memref<!tpu.dma_semaphore, #tpu.memory_space<semaphore_mem>>)
    %dma_start3A_156 = arith.constant 384 : i32
    %dma_start3A_157 = arith.constant 0 : i32
    %dma_start3A_158 = tpu.memref_slice %arg8[%dma_start3A_156, %dma_start3A_157] : memref<1024x32xf32, #tpu.memory_space<vmem>> -> memref<128x32xf32, #tpu.memory_space<vmem>>
    %dma_start3A_159 = arith.constant 2432 : i32
    %dma_start3A_160 = tpu.memref_slice %arg5[%dma_start3A_159] : memref<13312xi32, #tpu.memory_space<vmem>> -> memref<128xi32, #tpu.memory_space<vmem>>
    %dma_start3A_161 = arith.constant 0 : i32
    %dma_start3A_162 = arith.constant 0 : i32
    %dma_start3A_163 = tpu.memref_slice %arg3[%dma_start3A_161, %dma_start3A_162] : memref<1000000x32xf32, #tpu.memory_space<hbm>> -> memref<1000000x32xf32, #tpu.memory_space<hbm>>
    tpu.enqueue_indirect_dma source(%dma_start3A_163 : memref<1000000x32xf32, #tpu.memory_space<hbm>>) target(%dma_start3A_158 : memref<128x32xf32, #tpu.memory_space<vmem>>) offsets(%dma_start3A_160 : memref<128xi32, #tpu.memory_space<vmem>>) semaphore(%arg11 : memref<!tpu.dma_semaphore, #tpu.memory_space<semaphore_mem>>)
    %dma_start3A_164 = arith.constant 512 : i32
    %dma_start3A_165 = arith.constant 0 : i32
    %dma_start3A_166 = tpu.memref_slice %arg8[%dma_start3A_164, %dma_start3A_165] : memref<1024x32xf32, #tpu.memory_space<vmem>> -> memref<128x32xf32, #tpu.memory_space<vmem>>
    %dma_start3A_167 = arith.constant 2560 : i32
    %dma_start3A_168 = tpu.memref_slice %arg5[%dma_start3A_167] : memref<13312xi32, #tpu.memory_space<vmem>> -> memref<128xi32, #tpu.memory_space<vmem>>
    %dma_start3A_169 = arith.constant 0 : i32
    %dma_start3A_170 = arith.constant 0 : i32
    %dma_start3A_171 = tpu.memref_slice %arg3[%dma_start3A_169, %dma_start3A_170] : memref<1000000x32xf32, #tpu.memory_space<hbm>> -> memref<1000000x32xf32, #tpu.memory_space<hbm>>
    tpu.enqueue_indirect_dma source(%dma_start3A_171 : memref<1000000x32xf32, #tpu.memory_space<hbm>>) target(%dma_start3A_166 : memref<128x32xf32, #tpu.memory_space<vmem>>) offsets(%dma_start3A_168 : memref<128xi32, #tpu.memory_space<vmem>>) semaphore(%arg11 : memref<!tpu.dma_semaphore, #tpu.memory_space<semaphore_mem>>)
    %dma_start3A_172 = arith.constant 640 : i32
    %dma_start3A_173 = arith.constant 0 : i32
    %dma_start3A_174 = tpu.memref_slice %arg8[%dma_start3A_172, %dma_start3A_173] : memref<1024x32xf32, #tpu.memory_space<vmem>> -> memref<128x32xf32, #tpu.memory_space<vmem>>
    %dma_start3A_175 = arith.constant 2688 : i32
    %dma_start3A_176 = tpu.memref_slice %arg5[%dma_start3A_175] : memref<13312xi32, #tpu.memory_space<vmem>> -> memref<128xi32, #tpu.memory_space<vmem>>
    %dma_start3A_177 = arith.constant 0 : i32
    %dma_start3A_178 = arith.constant 0 : i32
    %dma_start3A_179 = tpu.memref_slice %arg3[%dma_start3A_177, %dma_start3A_178] : memref<1000000x32xf32, #tpu.memory_space<hbm>> -> memref<1000000x32xf32, #tpu.memory_space<hbm>>
    tpu.enqueue_indirect_dma source(%dma_start3A_179 : memref<1000000x32xf32, #tpu.memory_space<hbm>>) target(%dma_start3A_174 : memref<128x32xf32, #tpu.memory_space<vmem>>) offsets(%dma_start3A_176 : memref<128xi32, #tpu.memory_space<vmem>>) semaphore(%arg11 : memref<!tpu.dma_semaphore, #tpu.memory_space<semaphore_mem>>)
    %dma_start3A_180 = arith.constant 768 : i32
    %dma_start3A_181 = arith.constant 0 : i32
    %dma_start3A_182 = tpu.memref_slice %arg8[%dma_start3A_180, %dma_start3A_181] : memref<1024x32xf32, #tpu.memory_space<vmem>> -> memref<128x32xf32, #tpu.memory_space<vmem>>
    %dma_start3A_183 = arith.constant 2816 : i32
    %dma_start3A_184 = tpu.memref_slice %arg5[%dma_start3A_183] : memref<13312xi32, #tpu.memory_space<vmem>> -> memref<128xi32, #tpu.memory_space<vmem>>
    %dma_start3A_185 = arith.constant 0 : i32
    %dma_start3A_186 = arith.constant 0 : i32
    %dma_start3A_187 = tpu.memref_slice %arg3[%dma_start3A_185, %dma_start3A_186] : memref<1000000x32xf32, #tpu.memory_space<hbm>> -> memref<1000000x32xf32, #tpu.memory_space<hbm>>
    tpu.enqueue_indirect_dma source(%dma_start3A_187 : memref<1000000x32xf32, #tpu.memory_space<hbm>>) target(%dma_start3A_182 : memref<128x32xf32, #tpu.memory_space<vmem>>) offsets(%dma_start3A_184 : memref<128xi32, #tpu.memory_space<vmem>>) semaphore(%arg11 : memref<!tpu.dma_semaphore, #tpu.memory_space<semaphore_mem>>)
    %dma_start3A_188 = arith.constant 896 : i32
    %dma_start3A_189 = arith.constant 0 : i32
    %dma_start3A_190 = tpu.memref_slice %arg8[%dma_start3A_188, %dma_start3A_189] : memref<1024x32xf32, #tpu.memory_space<vmem>> -> memref<128x32xf32, #tpu.memory_space<vmem>>
    %dma_start3A_191 = arith.constant 2944 : i32
    %dma_start3A_192 = tpu.memref_slice %arg5[%dma_start3A_191] : memref<13312xi32, #tpu.memory_space<vmem>> -> memref<128xi32, #tpu.memory_space<vmem>>
    %dma_start3A_193 = arith.constant 0 : i32
    %dma_start3A_194 = arith.constant 0 : i32
    %dma_start3A_195 = tpu.memref_slice %arg3[%dma_start3A_193, %dma_start3A_194] : memref<1000000x32xf32, #tpu.memory_space<hbm>> -> memref<1000000x32xf32, #tpu.memory_space<hbm>>
    tpu.enqueue_indirect_dma source(%dma_start3A_195 : memref<1000000x32xf32, #tpu.memory_space<hbm>>) target(%dma_start3A_190 : memref<128x32xf32, #tpu.memory_space<vmem>>) offsets(%dma_start3A_192 : memref<128xi32, #tpu.memory_space<vmem>>) semaphore(%arg11 : memref<!tpu.dma_semaphore, #tpu.memory_space<semaphore_mem>>)
    %scan3A = arith.constant 0 : i32
    %scan3A_196 = arith.constant 5 : i32
    %scan3A_197 = arith.addi %scan3A, %scan3A_196 : i32
    %scan3A_198 = arith.constant 1 : i32
    scf.for %scan3A_217 = %scan3A to %scan3A_197 step %scan3A_198  : i32 {
      %mul3A_218 = arith.constant 3 : i32
      %mul3A_219 = arith.muli %scan3A_217, %mul3A_218 : i32
      %add3A_220 = arith.constant 0 : i32
      %add3A_221 = arith.addi %add3A_220, %mul3A_219 : i32
      %add3A_222 = arith.constant 0 : i32
      %add3A_223 = arith.addi %add3A_221, %add3A_222 : i32
      %lt3A = arith.constant 13 : i32
      %lt3A_224 = arith.cmpi slt, %add3A_223, %lt3A : i32
      %convert_element_type3A = arith.extui %lt3A_224 : i1 to i32
      %cond3A = arith.constant 0 : i32
      %cond3A_225 = arith.cmpi ne, %convert_element_type3A, %cond3A : i32
      scf.if %cond3A_225 {
        %dma_wait3A_240 = arith.constant 0 : i32
        %dma_wait3A_241 = arith.constant 0 : i32
        %dma_wait3A_242 = tpu.memref_slice %arg3[%dma_wait3A_240, %dma_wait3A_241] : memref<1000000x32xf32, #tpu.memory_space<hbm>> -> memref<1024x32xf32, #tpu.memory_space<hbm>>
        %dma_wait3A_243 = arith.constant 0 : i32
        %dma_wait3A_244 = arith.constant 0 : i32
        %dma_wait3A_245 = tpu.memref_slice %arg3[%dma_wait3A_243, %dma_wait3A_244] : memref<1000000x32xf32, #tpu.memory_space<hbm>> -> memref<1024x32xf32, #tpu.memory_space<hbm>>
        tpu.wait_dma2 semaphore(%arg9 : memref<!tpu.dma_semaphore, #tpu.memory_space<semaphore_mem>>) src(%dma_wait3A_245 : memref<1024x32xf32, #tpu.memory_space<hbm>>) dst(%arg6 : memref<1024x32xf32, #tpu.memory_space<vmem>>)
        %mul3A_246 = arith.constant 1024 : i32
        %mul3A_247 = arith.muli %add3A_223, %mul3A_246 : i32
        %add3A_248 = arith.addi %mul3A_2, %mul3A_247 : i32
        %dma_start3A_249 = arith.constant 0 : i32
        %dma_start3A_250 = tpu.memref_slice %arg4[%add3A_248, %dma_start3A_249] : memref<425984x32xf32, #tpu.memory_space<hbm>> -> memref<1024x32xf32, #tpu.memory_space<hbm>>
        %dma_start3A_251 = arith.constant 0 : i32
        %dma_start3A_252 = tpu.memref_slice %arg4[%add3A_248, %dma_start3A_251] : memref<425984x32xf32, #tpu.memory_space<hbm>> -> memref<1024x32xf32, #tpu.memory_space<hbm>>
        tpu.enqueue_dma source(%arg6 : memref<1024x32xf32, #tpu.memory_space<vmem>>) target(%dma_start3A_252 : memref<1024x32xf32, #tpu.memory_space<hbm>>) target_semaphore(%arg12 : memref<!tpu.dma_semaphore, #tpu.memory_space<semaphore_mem>>)
        %add3A_253 = arith.constant 3 : i32
        %add3A_254 = arith.addi %add3A_223, %add3A_253 : i32
        %lt3A_255 = arith.constant 13 : i32
        %lt3A_256 = arith.cmpi slt, %add3A_254, %lt3A_255 : i32
        %convert_element_type3A_257 = arith.extui %lt3A_256 : i1 to i32
        %cond3A_258 = arith.constant 0 : i32
        %cond3A_259 = arith.cmpi ne, %convert_element_type3A_257, %cond3A_258 : i32
        scf.if %cond3A_259 {
          %dma_wait3A_260 = arith.constant 0 : i32
          %dma_wait3A_261 = arith.constant 0 : i32
          %dma_wait3A_262 = tpu.memref_slice %arg4[%dma_wait3A_260, %dma_wait3A_261] : memref<425984x32xf32, #tpu.memory_space<hbm>> -> memref<1024x32xf32, #tpu.memory_space<hbm>>
          %dma_wait3A_263 = arith.constant 0 : i32
          %dma_wait3A_264 = arith.constant 0 : i32
          %dma_wait3A_265 = tpu.memref_slice %arg4[%dma_wait3A_263, %dma_wait3A_264] : memref<425984x32xf32, #tpu.memory_space<hbm>> -> memref<1024x32xf32, #tpu.memory_space<hbm>>
          tpu.wait_dma2 semaphore(%arg12 : memref<!tpu.dma_semaphore, #tpu.memory_space<semaphore_mem>>) src(%arg6 : memref<1024x32xf32, #tpu.memory_space<vmem>>) dst(%dma_wait3A_265 : memref<1024x32xf32, #tpu.memory_space<hbm>>)
          %mul3A_266 = arith.constant 8 : i32
          %mul3A_267 = arith.muli %add3A_254, %mul3A_266 : i32
          %add3A_268 = arith.constant 0 : i32
          %add3A_269 = arith.addi %mul3A_267, %add3A_268 : i32
          %mul3A_270 = arith.constant 128 : i32
          %mul3A_271 = arith.muli %add3A_269, %mul3A_270 : i32
          %dma_start3A_272 = arith.constant 0 : i32
          %dma_start3A_273 = arith.constant 0 : i32
          %dma_start3A_274 = tpu.memref_slice %arg6[%dma_start3A_272, %dma_start3A_273] : memref<1024x32xf32, #tpu.memory_space<vmem>> -> memref<128x32xf32, #tpu.memory_space<vmem>>
          %dma_start3A_275 = tpu.memref_slice %arg5[%mul3A_271] : memref<13312xi32, #tpu.memory_space<vmem>> -> memref<128xi32, #tpu.memory_space<vmem>>
          %dma_start3A_276 = arith.constant 0 : i32
          %dma_start3A_277 = arith.constant 0 : i32
          %dma_start3A_278 = tpu.memref_slice %arg3[%dma_start3A_276, %dma_start3A_277] : memref<1000000x32xf32, #tpu.memory_space<hbm>> -> memref<1000000x32xf32, #tpu.memory_space<hbm>>
          tpu.enqueue_indirect_dma source(%dma_start3A_278 : memref<1000000x32xf32, #tpu.memory_space<hbm>>) target(%dma_start3A_274 : memref<128x32xf32, #tpu.memory_space<vmem>>) offsets(%dma_start3A_275 : memref<128xi32, #tpu.memory_space<vmem>>) semaphore(%arg9 : memref<!tpu.dma_semaphore, #tpu.memory_space<semaphore_mem>>)
          %mul3A_279 = arith.constant 8 : i32
          %mul3A_280 = arith.muli %add3A_254, %mul3A_279 : i32
          %add3A_281 = arith.constant 1 : i32
          %add3A_282 = arith.addi %mul3A_280, %add3A_281 : i32
          %mul3A_283 = arith.constant 128 : i32
          %mul3A_284 = arith.muli %add3A_282, %mul3A_283 : i32
          %dma_start3A_285 = arith.constant 128 : i32
          %dma_start3A_286 = arith.constant 0 : i32
          %dma_start3A_287 = tpu.memref_slice %arg6[%dma_start3A_285, %dma_start3A_286] : memref<1024x32xf32, #tpu.memory_space<vmem>> -> memref<128x32xf32, #tpu.memory_space<vmem>>
          %dma_start3A_288 = tpu.memref_slice %arg5[%mul3A_284] : memref<13312xi32, #tpu.memory_space<vmem>> -> memref<128xi32, #tpu.memory_space<vmem>>
          %dma_start3A_289 = arith.constant 0 : i32
          %dma_start3A_290 = arith.constant 0 : i32
          %dma_start3A_291 = tpu.memref_slice %arg3[%dma_start3A_289, %dma_start3A_290] : memref<1000000x32xf32, #tpu.memory_space<hbm>> -> memref<1000000x32xf32, #tpu.memory_space<hbm>>
          tpu.enqueue_indirect_dma source(%dma_start3A_291 : memref<1000000x32xf32, #tpu.memory_space<hbm>>) target(%dma_start3A_287 : memref<128x32xf32, #tpu.memory_space<vmem>>) offsets(%dma_start3A_288 : memref<128xi32, #tpu.memory_space<vmem>>) semaphore(%arg9 : memref<!tpu.dma_semaphore, #tpu.memory_space<semaphore_mem>>)
          %mul3A_292 = arith.constant 8 : i32
          %mul3A_293 = arith.muli %add3A_254, %mul3A_292 : i32
          %add3A_294 = arith.constant 2 : i32
          %add3A_295 = arith.addi %mul3A_293, %add3A_294 : i32
          %mul3A_296 = arith.constant 128 : i32
          %mul3A_297 = arith.muli %add3A_295, %mul3A_296 : i32
          %dma_start3A_298 = arith.constant 256 : i32
          %dma_start3A_299 = arith.constant 0 : i32
          %dma_start3A_300 = tpu.memref_slice %arg6[%dma_start3A_298, %dma_start3A_299] : memref<1024x32xf32, #tpu.memory_space<vmem>> -> memref<128x32xf32, #tpu.memory_space<vmem>>
          %dma_start3A_301 = tpu.memref_slice %arg5[%mul3A_297] : memref<13312xi32, #tpu.memory_space<vmem>> -> memref<128xi32, #tpu.memory_space<vmem>>
          %dma_start3A_302 = arith.constant 0 : i32
          %dma_start3A_303 = arith.constant 0 : i32
          %dma_start3A_304 = tpu.memref_slice %arg3[%dma_start3A_302, %dma_start3A_303] : memref<1000000x32xf32, #tpu.memory_space<hbm>> -> memref<1000000x32xf32, #tpu.memory_space<hbm>>
          tpu.enqueue_indirect_dma source(%dma_start3A_304 : memref<1000000x32xf32, #tpu.memory_space<hbm>>) target(%dma_start3A_300 : memref<128x32xf32, #tpu.memory_space<vmem>>) offsets(%dma_start3A_301 : memref<128xi32, #tpu.memory_space<vmem>>) semaphore(%arg9 : memref<!tpu.dma_semaphore, #tpu.memory_space<semaphore_mem>>)
          %mul3A_305 = arith.constant 8 : i32
          %mul3A_306 = arith.muli %add3A_254, %mul3A_305 : i32
          %add3A_307 = arith.constant 3 : i32
          %add3A_308 = arith.addi %mul3A_306, %add3A_307 : i32
          %mul3A_309 = arith.constant 128 : i32
          %mul3A_310 = arith.muli %add3A_308, %mul3A_309 : i32
          %dma_start3A_311 = arith.constant 384 : i32
          %dma_start3A_312 = arith.constant 0 : i32
          %dma_start3A_313 = tpu.memref_slice %arg6[%dma_start3A_311, %dma_start3A_312] : memref<1024x32xf32, #tpu.memory_space<vmem>> -> memref<128x32xf32, #tpu.memory_space<vmem>>
          %dma_start3A_314 = tpu.memref_slice %arg5[%mul3A_310] : memref<13312xi32, #tpu.memory_space<vmem>> -> memref<128xi32, #tpu.memory_space<vmem>>
          %dma_start3A_315 = arith.constant 0 : i32
          %dma_start3A_316 = arith.constant 0 : i32
          %dma_start3A_317 = tpu.memref_slice %arg3[%dma_start3A_315, %dma_start3A_316] : memref<1000000x32xf32, #tpu.memory_space<hbm>> -> memref<1000000x32xf32, #tpu.memory_space<hbm>>
          tpu.enqueue_indirect_dma source(%dma_start3A_317 : memref<1000000x32xf32, #tpu.memory_space<hbm>>) target(%dma_start3A_313 : memref<128x32xf32, #tpu.memory_space<vmem>>) offsets(%dma_start3A_314 : memref<128xi32, #tpu.memory_space<vmem>>) semaphore(%arg9 : memref<!tpu.dma_semaphore, #tpu.memory_space<semaphore_mem>>)
          %mul3A_318 = arith.constant 8 : i32
          %mul3A_319 = arith.muli %add3A_254, %mul3A_318 : i32
          %add3A_320 = arith.constant 4 : i32
          %add3A_321 = arith.addi %mul3A_319, %add3A_320 : i32
          %mul3A_322 = arith.constant 128 : i32
          %mul3A_323 = arith.muli %add3A_321, %mul3A_322 : i32
          %dma_start3A_324 = arith.constant 512 : i32
          %dma_start3A_325 = arith.constant 0 : i32
          %dma_start3A_326 = tpu.memref_slice %arg6[%dma_start3A_324, %dma_start3A_325] : memref<1024x32xf32, #tpu.memory_space<vmem>> -> memref<128x32xf32, #tpu.memory_space<vmem>>
          %dma_start3A_327 = tpu.memref_slice %arg5[%mul3A_323] : memref<13312xi32, #tpu.memory_space<vmem>> -> memref<128xi32, #tpu.memory_space<vmem>>
          %dma_start3A_328 = arith.constant 0 : i32
          %dma_start3A_329 = arith.constant 0 : i32
          %dma_start3A_330 = tpu.memref_slice %arg3[%dma_start3A_328, %dma_start3A_329] : memref<1000000x32xf32, #tpu.memory_space<hbm>> -> memref<1000000x32xf32, #tpu.memory_space<hbm>>
          tpu.enqueue_indirect_dma source(%dma_start3A_330 : memref<1000000x32xf32, #tpu.memory_space<hbm>>) target(%dma_start3A_326 : memref<128x32xf32, #tpu.memory_space<vmem>>) offsets(%dma_start3A_327 : memref<128xi32, #tpu.memory_space<vmem>>) semaphore(%arg9 : memref<!tpu.dma_semaphore, #tpu.memory_space<semaphore_mem>>)
          %mul3A_331 = arith.constant 8 : i32
          %mul3A_332 = arith.muli %add3A_254, %mul3A_331 : i32
          %add3A_333 = arith.constant 5 : i32
          %add3A_334 = arith.addi %mul3A_332, %add3A_333 : i32
          %mul3A_335 = arith.constant 128 : i32
          %mul3A_336 = arith.muli %add3A_334, %mul3A_335 : i32
          %dma_start3A_337 = arith.constant 640 : i32
          %dma_start3A_338 = arith.constant 0 : i32
          %dma_start3A_339 = tpu.memref_slice %arg6[%dma_start3A_337, %dma_start3A_338] : memref<1024x32xf32, #tpu.memory_space<vmem>> -> memref<128x32xf32, #tpu.memory_space<vmem>>
          %dma_start3A_340 = tpu.memref_slice %arg5[%mul3A_336] : memref<13312xi32, #tpu.memory_space<vmem>> -> memref<128xi32, #tpu.memory_space<vmem>>
          %dma_start3A_341 = arith.constant 0 : i32
          %dma_start3A_342 = arith.constant 0 : i32
          %dma_start3A_343 = tpu.memref_slice %arg3[%dma_start3A_341, %dma_start3A_342] : memref<1000000x32xf32, #tpu.memory_space<hbm>> -> memref<1000000x32xf32, #tpu.memory_space<hbm>>
          tpu.enqueue_indirect_dma source(%dma_start3A_343 : memref<1000000x32xf32, #tpu.memory_space<hbm>>) target(%dma_start3A_339 : memref<128x32xf32, #tpu.memory_space<vmem>>) offsets(%dma_start3A_340 : memref<128xi32, #tpu.memory_space<vmem>>) semaphore(%arg9 : memref<!tpu.dma_semaphore, #tpu.memory_space<semaphore_mem>>)
          %mul3A_344 = arith.constant 8 : i32
          %mul3A_345 = arith.muli %add3A_254, %mul3A_344 : i32
          %add3A_346 = arith.constant 6 : i32
          %add3A_347 = arith.addi %mul3A_345, %add3A_346 : i32
          %mul3A_348 = arith.constant 128 : i32
          %mul3A_349 = arith.muli %add3A_347, %mul3A_348 : i32
          %dma_start3A_350 = arith.constant 768 : i32
          %dma_start3A_351 = arith.constant 0 : i32
          %dma_start3A_352 = tpu.memref_slice %arg6[%dma_start3A_350, %dma_start3A_351] : memref<1024x32xf32, #tpu.memory_space<vmem>> -> memref<128x32xf32, #tpu.memory_space<vmem>>
          %dma_start3A_353 = tpu.memref_slice %arg5[%mul3A_349] : memref<13312xi32, #tpu.memory_space<vmem>> -> memref<128xi32, #tpu.memory_space<vmem>>
          %dma_start3A_354 = arith.constant 0 : i32
          %dma_start3A_355 = arith.constant 0 : i32
          %dma_start3A_356 = tpu.memref_slice %arg3[%dma_start3A_354, %dma_start3A_355] : memref<1000000x32xf32, #tpu.memory_space<hbm>> -> memref<1000000x32xf32, #tpu.memory_space<hbm>>
          tpu.enqueue_indirect_dma source(%dma_start3A_356 : memref<1000000x32xf32, #tpu.memory_space<hbm>>) target(%dma_start3A_352 : memref<128x32xf32, #tpu.memory_space<vmem>>) offsets(%dma_start3A_353 : memref<128xi32, #tpu.memory_space<vmem>>) semaphore(%arg9 : memref<!tpu.dma_semaphore, #tpu.memory_space<semaphore_mem>>)
          %mul3A_357 = arith.constant 8 : i32
          %mul3A_358 = arith.muli %add3A_254, %mul3A_357 : i32
          %add3A_359 = arith.constant 7 : i32
          %add3A_360 = arith.addi %mul3A_358, %add3A_359 : i32
          %mul3A_361 = arith.constant 128 : i32
          %mul3A_362 = arith.muli %add3A_360, %mul3A_361 : i32
          %dma_start3A_363 = arith.constant 896 : i32
          %dma_start3A_364 = arith.constant 0 : i32
          %dma_start3A_365 = tpu.memref_slice %arg6[%dma_start3A_363, %dma_start3A_364] : memref<1024x32xf32, #tpu.memory_space<vmem>> -> memref<128x32xf32, #tpu.memory_space<vmem>>
          %dma_start3A_366 = tpu.memref_slice %arg5[%mul3A_362] : memref<13312xi32, #tpu.memory_space<vmem>> -> memref<128xi32, #tpu.memory_space<vmem>>
          %dma_start3A_367 = arith.constant 0 : i32
          %dma_start3A_368 = arith.constant 0 : i32
          %dma_start3A_369 = tpu.memref_slice %arg3[%dma_start3A_367, %dma_start3A_368] : memref<1000000x32xf32, #tpu.memory_space<hbm>> -> memref<1000000x32xf32, #tpu.memory_space<hbm>>
          tpu.enqueue_indirect_dma source(%dma_start3A_369 : memref<1000000x32xf32, #tpu.memory_space<hbm>>) target(%dma_start3A_365 : memref<128x32xf32, #tpu.memory_space<vmem>>) offsets(%dma_start3A_366 : memref<128xi32, #tpu.memory_space<vmem>>) semaphore(%arg9 : memref<!tpu.dma_semaphore, #tpu.memory_space<semaphore_mem>>)
        } else {
        }
      } else {
      }
      %add3A_226 = arith.constant 1 : i32
      %add3A_227 = arith.addi %add3A_221, %add3A_226 : i32
      %lt3A_228 = arith.constant 13 : i32
      %lt3A_229 = arith.cmpi slt, %add3A_227, %lt3A_228 : i32
      %convert_element_type3A_230 = arith.extui %lt3A_229 : i1 to i32
      %cond3A_231 = arith.constant 0 : i32
      %cond3A_232 = arith.cmpi ne, %convert_element_type3A_230, %cond3A_231 : i32
      scf.if %cond3A_232 {
        %dma_wait3A_240 = arith.constant 0 : i32
        %dma_wait3A_241 = arith.constant 0 : i32
        %dma_wait3A_242 = tpu.memref_slice %arg3[%dma_wait3A_240, %dma_wait3A_241] : memref<1000000x32xf32, #tpu.memory_space<hbm>> -> memref<1024x32xf32, #tpu.memory_space<hbm>>
        %dma_wait3A_243 = arith.constant 0 : i32
        %dma_wait3A_244 = arith.constant 0 : i32
        %dma_wait3A_245 = tpu.memref_slice %arg3[%dma_wait3A_243, %dma_wait3A_244] : memref<1000000x32xf32, #tpu.memory_space<hbm>> -> memref<1024x32xf32, #tpu.memory_space<hbm>>
        tpu.wait_dma2 semaphore(%arg10 : memref<!tpu.dma_semaphore, #tpu.memory_space<semaphore_mem>>) src(%dma_wait3A_245 : memref<1024x32xf32, #tpu.memory_space<hbm>>) dst(%arg7 : memref<1024x32xf32, #tpu.memory_space<vmem>>)
        %mul3A_246 = arith.constant 1024 : i32
        %mul3A_247 = arith.muli %add3A_227, %mul3A_246 : i32
        %add3A_248 = arith.addi %mul3A_2, %mul3A_247 : i32
        %dma_start3A_249 = arith.constant 0 : i32
        %dma_start3A_250 = tpu.memref_slice %arg4[%add3A_248, %dma_start3A_249] : memref<425984x32xf32, #tpu.memory_space<hbm>> -> memref<1024x32xf32, #tpu.memory_space<hbm>>
        %dma_start3A_251 = arith.constant 0 : i32
        %dma_start3A_252 = tpu.memref_slice %arg4[%add3A_248, %dma_start3A_251] : memref<425984x32xf32, #tpu.memory_space<hbm>> -> memref<1024x32xf32, #tpu.memory_space<hbm>>
        tpu.enqueue_dma source(%arg7 : memref<1024x32xf32, #tpu.memory_space<vmem>>) target(%dma_start3A_252 : memref<1024x32xf32, #tpu.memory_space<hbm>>) target_semaphore(%arg13 : memref<!tpu.dma_semaphore, #tpu.memory_space<semaphore_mem>>)
        %add3A_253 = arith.constant 3 : i32
        %add3A_254 = arith.addi %add3A_227, %add3A_253 : i32
        %lt3A_255 = arith.constant 13 : i32
        %lt3A_256 = arith.cmpi slt, %add3A_254, %lt3A_255 : i32
        %convert_element_type3A_257 = arith.extui %lt3A_256 : i1 to i32
        %cond3A_258 = arith.constant 0 : i32
        %cond3A_259 = arith.cmpi ne, %convert_element_type3A_257, %cond3A_258 : i32
        scf.if %cond3A_259 {
          %dma_wait3A_260 = arith.constant 0 : i32
          %dma_wait3A_261 = arith.constant 0 : i32
          %dma_wait3A_262 = tpu.memref_slice %arg4[%dma_wait3A_260, %dma_wait3A_261] : memref<425984x32xf32, #tpu.memory_space<hbm>> -> memref<1024x32xf32, #tpu.memory_space<hbm>>
          %dma_wait3A_263 = arith.constant 0 : i32
          %dma_wait3A_264 = arith.constant 0 : i32
          %dma_wait3A_265 = tpu.memref_slice %arg4[%dma_wait3A_263, %dma_wait3A_264] : memref<425984x32xf32, #tpu.memory_space<hbm>> -> memref<1024x32xf32, #tpu.memory_space<hbm>>
          tpu.wait_dma2 semaphore(%arg13 : memref<!tpu.dma_semaphore, #tpu.memory_space<semaphore_mem>>) src(%arg7 : memref<1024x32xf32, #tpu.memory_space<vmem>>) dst(%dma_wait3A_265 : memref<1024x32xf32, #tpu.memory_space<hbm>>)
          %mul3A_266 = arith.constant 8 : i32
          %mul3A_267 = arith.muli %add3A_254, %mul3A_266 : i32
          %add3A_268 = arith.constant 0 : i32
          %add3A_269 = arith.addi %mul3A_267, %add3A_268 : i32
          %mul3A_270 = arith.constant 128 : i32
          %mul3A_271 = arith.muli %add3A_269, %mul3A_270 : i32
          %dma_start3A_272 = arith.constant 0 : i32
          %dma_start3A_273 = arith.constant 0 : i32
          %dma_start3A_274 = tpu.memref_slice %arg7[%dma_start3A_272, %dma_start3A_273] : memref<1024x32xf32, #tpu.memory_space<vmem>> -> memref<128x32xf32, #tpu.memory_space<vmem>>
          %dma_start3A_275 = tpu.memref_slice %arg5[%mul3A_271] : memref<13312xi32, #tpu.memory_space<vmem>> -> memref<128xi32, #tpu.memory_space<vmem>>
          %dma_start3A_276 = arith.constant 0 : i32
          %dma_start3A_277 = arith.constant 0 : i32
          %dma_start3A_278 = tpu.memref_slice %arg3[%dma_start3A_276, %dma_start3A_277] : memref<1000000x32xf32, #tpu.memory_space<hbm>> -> memref<1000000x32xf32, #tpu.memory_space<hbm>>
          tpu.enqueue_indirect_dma source(%dma_start3A_278 : memref<1000000x32xf32, #tpu.memory_space<hbm>>) target(%dma_start3A_274 : memref<128x32xf32, #tpu.memory_space<vmem>>) offsets(%dma_start3A_275 : memref<128xi32, #tpu.memory_space<vmem>>) semaphore(%arg10 : memref<!tpu.dma_semaphore, #tpu.memory_space<semaphore_mem>>)
          %mul3A_279 = arith.constant 8 : i32
          %mul3A_280 = arith.muli %add3A_254, %mul3A_279 : i32
          %add3A_281 = arith.constant 1 : i32
          %add3A_282 = arith.addi %mul3A_280, %add3A_281 : i32
          %mul3A_283 = arith.constant 128 : i32
          %mul3A_284 = arith.muli %add3A_282, %mul3A_283 : i32
          %dma_start3A_285 = arith.constant 128 : i32
          %dma_start3A_286 = arith.constant 0 : i32
          %dma_start3A_287 = tpu.memref_slice %arg7[%dma_start3A_285, %dma_start3A_286] : memref<1024x32xf32, #tpu.memory_space<vmem>> -> memref<128x32xf32, #tpu.memory_space<vmem>>
          %dma_start3A_288 = tpu.memref_slice %arg5[%mul3A_284] : memref<13312xi32, #tpu.memory_space<vmem>> -> memref<128xi32, #tpu.memory_space<vmem>>
          %dma_start3A_289 = arith.constant 0 : i32
          %dma_start3A_290 = arith.constant 0 : i32
          %dma_start3A_291 = tpu.memref_slice %arg3[%dma_start3A_289, %dma_start3A_290] : memref<1000000x32xf32, #tpu.memory_space<hbm>> -> memref<1000000x32xf32, #tpu.memory_space<hbm>>
          tpu.enqueue_indirect_dma source(%dma_start3A_291 : memref<1000000x32xf32, #tpu.memory_space<hbm>>) target(%dma_start3A_287 : memref<128x32xf32, #tpu.memory_space<vmem>>) offsets(%dma_start3A_288 : memref<128xi32, #tpu.memory_space<vmem>>) semaphore(%arg10 : memref<!tpu.dma_semaphore, #tpu.memory_space<semaphore_mem>>)
          %mul3A_292 = arith.constant 8 : i32
          %mul3A_293 = arith.muli %add3A_254, %mul3A_292 : i32
          %add3A_294 = arith.constant 2 : i32
          %add3A_295 = arith.addi %mul3A_293, %add3A_294 : i32
          %mul3A_296 = arith.constant 128 : i32
          %mul3A_297 = arith.muli %add3A_295, %mul3A_296 : i32
          %dma_start3A_298 = arith.constant 256 : i32
          %dma_start3A_299 = arith.constant 0 : i32
          %dma_start3A_300 = tpu.memref_slice %arg7[%dma_start3A_298, %dma_start3A_299] : memref<1024x32xf32, #tpu.memory_space<vmem>> -> memref<128x32xf32, #tpu.memory_space<vmem>>
          %dma_start3A_301 = tpu.memref_slice %arg5[%mul3A_297] : memref<13312xi32, #tpu.memory_space<vmem>> -> memref<128xi32, #tpu.memory_space<vmem>>
          %dma_start3A_302 = arith.constant 0 : i32
          %dma_start3A_303 = arith.constant 0 : i32
          %dma_start3A_304 = tpu.memref_slice %arg3[%dma_start3A_302, %dma_start3A_303] : memref<1000000x32xf32, #tpu.memory_space<hbm>> -> memref<1000000x32xf32, #tpu.memory_space<hbm>>
          tpu.enqueue_indirect_dma source(%dma_start3A_304 : memref<1000000x32xf32, #tpu.memory_space<hbm>>) target(%dma_start3A_300 : memref<128x32xf32, #tpu.memory_space<vmem>>) offsets(%dma_start3A_301 : memref<128xi32, #tpu.memory_space<vmem>>) semaphore(%arg10 : memref<!tpu.dma_semaphore, #tpu.memory_space<semaphore_mem>>)
          %mul3A_305 = arith.constant 8 : i32
          %mul3A_306 = arith.muli %add3A_254, %mul3A_305 : i32
          %add3A_307 = arith.constant 3 : i32
          %add3A_308 = arith.addi %mul3A_306, %add3A_307 : i32
          %mul3A_309 = arith.constant 128 : i32
          %mul3A_310 = arith.muli %add3A_308, %mul3A_309 : i32
          %dma_start3A_311 = arith.constant 384 : i32
          %dma_start3A_312 = arith.constant 0 : i32
          %dma_start3A_313 = tpu.memref_slice %arg7[%dma_start3A_311, %dma_start3A_312] : memref<1024x32xf32, #tpu.memory_space<vmem>> -> memref<128x32xf32, #tpu.memory_space<vmem>>
          %dma_start3A_314 = tpu.memref_slice %arg5[%mul3A_310] : memref<13312xi32, #tpu.memory_space<vmem>> -> memref<128xi32, #tpu.memory_space<vmem>>
          %dma_start3A_315 = arith.constant 0 : i32
          %dma_start3A_316 = arith.constant 0 : i32
          %dma_start3A_317 = tpu.memref_slice %arg3[%dma_start3A_315, %dma_start3A_316] : memref<1000000x32xf32, #tpu.memory_space<hbm>> -> memref<1000000x32xf32, #tpu.memory_space<hbm>>
          tpu.enqueue_indirect_dma source(%dma_start3A_317 : memref<1000000x32xf32, #tpu.memory_space<hbm>>) target(%dma_start3A_313 : memref<128x32xf32, #tpu.memory_space<vmem>>) offsets(%dma_start3A_314 : memref<128xi32, #tpu.memory_space<vmem>>) semaphore(%arg10 : memref<!tpu.dma_semaphore, #tpu.memory_space<semaphore_mem>>)
          %mul3A_318 = arith.constant 8 : i32
          %mul3A_319 = arith.muli %add3A_254, %mul3A_318 : i32
          %add3A_320 = arith.constant 4 : i32
          %add3A_321 = arith.addi %mul3A_319, %add3A_320 : i32
          %mul3A_322 = arith.constant 128 : i32
          %mul3A_323 = arith.muli %add3A_321, %mul3A_322 : i32
          %dma_start3A_324 = arith.constant 512 : i32
          %dma_start3A_325 = arith.constant 0 : i32
          %dma_start3A_326 = tpu.memref_slice %arg7[%dma_start3A_324, %dma_start3A_325] : memref<1024x32xf32, #tpu.memory_space<vmem>> -> memref<128x32xf32, #tpu.memory_space<vmem>>
          %dma_start3A_327 = tpu.memref_slice %arg5[%mul3A_323] : memref<13312xi32, #tpu.memory_space<vmem>> -> memref<128xi32, #tpu.memory_space<vmem>>
          %dma_start3A_328 = arith.constant 0 : i32
          %dma_start3A_329 = arith.constant 0 : i32
          %dma_start3A_330 = tpu.memref_slice %arg3[%dma_start3A_328, %dma_start3A_329] : memref<1000000x32xf32, #tpu.memory_space<hbm>> -> memref<1000000x32xf32, #tpu.memory_space<hbm>>
          tpu.enqueue_indirect_dma source(%dma_start3A_330 : memref<1000000x32xf32, #tpu.memory_space<hbm>>) target(%dma_start3A_326 : memref<128x32xf32, #tpu.memory_space<vmem>>) offsets(%dma_start3A_327 : memref<128xi32, #tpu.memory_space<vmem>>) semaphore(%arg10 : memref<!tpu.dma_semaphore, #tpu.memory_space<semaphore_mem>>)
          %mul3A_331 = arith.constant 8 : i32
          %mul3A_332 = arith.muli %add3A_254, %mul3A_331 : i32
          %add3A_333 = arith.constant 5 : i32
          %add3A_334 = arith.addi %mul3A_332, %add3A_333 : i32
          %mul3A_335 = arith.constant 128 : i32
          %mul3A_336 = arith.muli %add3A_334, %mul3A_335 : i32
          %dma_start3A_337 = arith.constant 640 : i32
          %dma_start3A_338 = arith.constant 0 : i32
          %dma_start3A_339 = tpu.memref_slice %arg7[%dma_start3A_337, %dma_start3A_338] : memref<1024x32xf32, #tpu.memory_space<vmem>> -> memref<128x32xf32, #tpu.memory_space<vmem>>
          %dma_start3A_340 = tpu.memref_slice %arg5[%mul3A_336] : memref<13312xi32, #tpu.memory_space<vmem>> -> memref<128xi32, #tpu.memory_space<vmem>>
          %dma_start3A_341 = arith.constant 0 : i32
          %dma_start3A_342 = arith.constant 0 : i32
          %dma_start3A_343 = tpu.memref_slice %arg3[%dma_start3A_341, %dma_start3A_342] : memref<1000000x32xf32, #tpu.memory_space<hbm>> -> memref<1000000x32xf32, #tpu.memory_space<hbm>>
          tpu.enqueue_indirect_dma source(%dma_start3A_343 : memref<1000000x32xf32, #tpu.memory_space<hbm>>) target(%dma_start3A_339 : memref<128x32xf32, #tpu.memory_space<vmem>>) offsets(%dma_start3A_340 : memref<128xi32, #tpu.memory_space<vmem>>) semaphore(%arg10 : memref<!tpu.dma_semaphore, #tpu.memory_space<semaphore_mem>>)
          %mul3A_344 = arith.constant 8 : i32
          %mul3A_345 = arith.muli %add3A_254, %mul3A_344 : i32
          %add3A_346 = arith.constant 6 : i32
          %add3A_347 = arith.addi %mul3A_345, %add3A_346 : i32
          %mul3A_348 = arith.constant 128 : i32
          %mul3A_349 = arith.muli %add3A_347, %mul3A_348 : i32
          %dma_start3A_350 = arith.constant 768 : i32
          %dma_start3A_351 = arith.constant 0 : i32
          %dma_start3A_352 = tpu.memref_slice %arg7[%dma_start3A_350, %dma_start3A_351] : memref<1024x32xf32, #tpu.memory_space<vmem>> -> memref<128x32xf32, #tpu.memory_space<vmem>>
          %dma_start3A_353 = tpu.memref_slice %arg5[%mul3A_349] : memref<13312xi32, #tpu.memory_space<vmem>> -> memref<128xi32, #tpu.memory_space<vmem>>
          %dma_start3A_354 = arith.constant 0 : i32
          %dma_start3A_355 = arith.constant 0 : i32
          %dma_start3A_356 = tpu.memref_slice %arg3[%dma_start3A_354, %dma_start3A_355] : memref<1000000x32xf32, #tpu.memory_space<hbm>> -> memref<1000000x32xf32, #tpu.memory_space<hbm>>
          tpu.enqueue_indirect_dma source(%dma_start3A_356 : memref<1000000x32xf32, #tpu.memory_space<hbm>>) target(%dma_start3A_352 : memref<128x32xf32, #tpu.memory_space<vmem>>) offsets(%dma_start3A_353 : memref<128xi32, #tpu.memory_space<vmem>>) semaphore(%arg10 : memref<!tpu.dma_semaphore, #tpu.memory_space<semaphore_mem>>)
          %mul3A_357 = arith.constant 8 : i32
          %mul3A_358 = arith.muli %add3A_254, %mul3A_357 : i32
          %add3A_359 = arith.constant 7 : i32
          %add3A_360 = arith.addi %mul3A_358, %add3A_359 : i32
          %mul3A_361 = arith.constant 128 : i32
          %mul3A_362 = arith.muli %add3A_360, %mul3A_361 : i32
          %dma_start3A_363 = arith.constant 896 : i32
          %dma_start3A_364 = arith.constant 0 : i32
          %dma_start3A_365 = tpu.memref_slice %arg7[%dma_start3A_363, %dma_start3A_364] : memref<1024x32xf32, #tpu.memory_space<vmem>> -> memref<128x32xf32, #tpu.memory_space<vmem>>
          %dma_start3A_366 = tpu.memref_slice %arg5[%mul3A_362] : memref<13312xi32, #tpu.memory_space<vmem>> -> memref<128xi32, #tpu.memory_space<vmem>>
          %dma_start3A_367 = arith.constant 0 : i32
          %dma_start3A_368 = arith.constant 0 : i32
          %dma_start3A_369 = tpu.memref_slice %arg3[%dma_start3A_367, %dma_start3A_368] : memref<1000000x32xf32, #tpu.memory_space<hbm>> -> memref<1000000x32xf32, #tpu.memory_space<hbm>>
          tpu.enqueue_indirect_dma source(%dma_start3A_369 : memref<1000000x32xf32, #tpu.memory_space<hbm>>) target(%dma_start3A_365 : memref<128x32xf32, #tpu.memory_space<vmem>>) offsets(%dma_start3A_366 : memref<128xi32, #tpu.memory_space<vmem>>) semaphore(%arg10 : memref<!tpu.dma_semaphore, #tpu.memory_space<semaphore_mem>>)
        } else {
        }
      } else {
      }
      %add3A_233 = arith.constant 2 : i32
      %add3A_234 = arith.addi %add3A_221, %add3A_233 : i32
      %lt3A_235 = arith.constant 13 : i32
      %lt3A_236 = arith.cmpi slt, %add3A_234, %lt3A_235 : i32
      %convert_element_type3A_237 = arith.extui %lt3A_236 : i1 to i32
      %cond3A_238 = arith.constant 0 : i32
      %cond3A_239 = arith.cmpi ne, %convert_element_type3A_237, %cond3A_238 : i32
      scf.if %cond3A_239 {
        %dma_wait3A_240 = arith.constant 0 : i32
        %dma_wait3A_241 = arith.constant 0 : i32
        %dma_wait3A_242 = tpu.memref_slice %arg3[%dma_wait3A_240, %dma_wait3A_241] : memref<1000000x32xf32, #tpu.memory_space<hbm>> -> memref<1024x32xf32, #tpu.memory_space<hbm>>
        %dma_wait3A_243 = arith.constant 0 : i32
        %dma_wait3A_244 = arith.constant 0 : i32
        %dma_wait3A_245 = tpu.memref_slice %arg3[%dma_wait3A_243, %dma_wait3A_244] : memref<1000000x32xf32, #tpu.memory_space<hbm>> -> memref<1024x32xf32, #tpu.memory_space<hbm>>
        tpu.wait_dma2 semaphore(%arg11 : memref<!tpu.dma_semaphore, #tpu.memory_space<semaphore_mem>>) src(%dma_wait3A_245 : memref<1024x32xf32, #tpu.memory_space<hbm>>) dst(%arg8 : memref<1024x32xf32, #tpu.memory_space<vmem>>)
        %mul3A_246 = arith.constant 1024 : i32
        %mul3A_247 = arith.muli %add3A_234, %mul3A_246 : i32
        %add3A_248 = arith.addi %mul3A_2, %mul3A_247 : i32
        %dma_start3A_249 = arith.constant 0 : i32
        %dma_start3A_250 = tpu.memref_slice %arg4[%add3A_248, %dma_start3A_249] : memref<425984x32xf32, #tpu.memory_space<hbm>> -> memref<1024x32xf32, #tpu.memory_space<hbm>>
        %dma_start3A_251 = arith.constant 0 : i32
        %dma_start3A_252 = tpu.memref_slice %arg4[%add3A_248, %dma_start3A_251] : memref<425984x32xf32, #tpu.memory_space<hbm>> -> memref<1024x32xf32, #tpu.memory_space<hbm>>
        tpu.enqueue_dma source(%arg8 : memref<1024x32xf32, #tpu.memory_space<vmem>>) target(%dma_start3A_252 : memref<1024x32xf32, #tpu.memory_space<hbm>>) target_semaphore(%arg14 : memref<!tpu.dma_semaphore, #tpu.memory_space<semaphore_mem>>)
        %add3A_253 = arith.constant 3 : i32
        %add3A_254 = arith.addi %add3A_234, %add3A_253 : i32
        %lt3A_255 = arith.constant 13 : i32
        %lt3A_256 = arith.cmpi slt, %add3A_254, %lt3A_255 : i32
        %convert_element_type3A_257 = arith.extui %lt3A_256 : i1 to i32
        %cond3A_258 = arith.constant 0 : i32
        %cond3A_259 = arith.cmpi ne, %convert_element_type3A_257, %cond3A_258 : i32
        scf.if %cond3A_259 {
          %dma_wait3A_260 = arith.constant 0 : i32
          %dma_wait3A_261 = arith.constant 0 : i32
          %dma_wait3A_262 = tpu.memref_slice %arg4[%dma_wait3A_260, %dma_wait3A_261] : memref<425984x32xf32, #tpu.memory_space<hbm>> -> memref<1024x32xf32, #tpu.memory_space<hbm>>
          %dma_wait3A_263 = arith.constant 0 : i32
          %dma_wait3A_264 = arith.constant 0 : i32
          %dma_wait3A_265 = tpu.memref_slice %arg4[%dma_wait3A_263, %dma_wait3A_264] : memref<425984x32xf32, #tpu.memory_space<hbm>> -> memref<1024x32xf32, #tpu.memory_space<hbm>>
          tpu.wait_dma2 semaphore(%arg14 : memref<!tpu.dma_semaphore, #tpu.memory_space<semaphore_mem>>) src(%arg8 : memref<1024x32xf32, #tpu.memory_space<vmem>>) dst(%dma_wait3A_265 : memref<1024x32xf32, #tpu.memory_space<hbm>>)
          %mul3A_266 = arith.constant 8 : i32
          %mul3A_267 = arith.muli %add3A_254, %mul3A_266 : i32
          %add3A_268 = arith.constant 0 : i32
          %add3A_269 = arith.addi %mul3A_267, %add3A_268 : i32
          %mul3A_270 = arith.constant 128 : i32
          %mul3A_271 = arith.muli %add3A_269, %mul3A_270 : i32
          %dma_start3A_272 = arith.constant 0 : i32
          %dma_start3A_273 = arith.constant 0 : i32
          %dma_start3A_274 = tpu.memref_slice %arg8[%dma_start3A_272, %dma_start3A_273] : memref<1024x32xf32, #tpu.memory_space<vmem>> -> memref<128x32xf32, #tpu.memory_space<vmem>>
          %dma_start3A_275 = tpu.memref_slice %arg5[%mul3A_271] : memref<13312xi32, #tpu.memory_space<vmem>> -> memref<128xi32, #tpu.memory_space<vmem>>
          %dma_start3A_276 = arith.constant 0 : i32
          %dma_start3A_277 = arith.constant 0 : i32
          %dma_start3A_278 = tpu.memref_slice %arg3[%dma_start3A_276, %dma_start3A_277] : memref<1000000x32xf32, #tpu.memory_space<hbm>> -> memref<1000000x32xf32, #tpu.memory_space<hbm>>
          tpu.enqueue_indirect_dma source(%dma_start3A_278 : memref<1000000x32xf32, #tpu.memory_space<hbm>>) target(%dma_start3A_274 : memref<128x32xf32, #tpu.memory_space<vmem>>) offsets(%dma_start3A_275 : memref<128xi32, #tpu.memory_space<vmem>>) semaphore(%arg11 : memref<!tpu.dma_semaphore, #tpu.memory_space<semaphore_mem>>)
          %mul3A_279 = arith.constant 8 : i32
          %mul3A_280 = arith.muli %add3A_254, %mul3A_279 : i32
          %add3A_281 = arith.constant 1 : i32
          %add3A_282 = arith.addi %mul3A_280, %add3A_281 : i32
          %mul3A_283 = arith.constant 128 : i32
          %mul3A_284 = arith.muli %add3A_282, %mul3A_283 : i32
          %dma_start3A_285 = arith.constant 128 : i32
          %dma_start3A_286 = arith.constant 0 : i32
          %dma_start3A_287 = tpu.memref_slice %arg8[%dma_start3A_285, %dma_start3A_286] : memref<1024x32xf32, #tpu.memory_space<vmem>> -> memref<128x32xf32, #tpu.memory_space<vmem>>
          %dma_start3A_288 = tpu.memref_slice %arg5[%mul3A_284] : memref<13312xi32, #tpu.memory_space<vmem>> -> memref<128xi32, #tpu.memory_space<vmem>>
          %dma_start3A_289 = arith.constant 0 : i32
          %dma_start3A_290 = arith.constant 0 : i32
          %dma_start3A_291 = tpu.memref_slice %arg3[%dma_start3A_289, %dma_start3A_290] : memref<1000000x32xf32, #tpu.memory_space<hbm>> -> memref<1000000x32xf32, #tpu.memory_space<hbm>>
          tpu.enqueue_indirect_dma source(%dma_start3A_291 : memref<1000000x32xf32, #tpu.memory_space<hbm>>) target(%dma_start3A_287 : memref<128x32xf32, #tpu.memory_space<vmem>>) offsets(%dma_start3A_288 : memref<128xi32, #tpu.memory_space<vmem>>) semaphore(%arg11 : memref<!tpu.dma_semaphore, #tpu.memory_space<semaphore_mem>>)
          %mul3A_292 = arith.constant 8 : i32
          %mul3A_293 = arith.muli %add3A_254, %mul3A_292 : i32
          %add3A_294 = arith.constant 2 : i32
          %add3A_295 = arith.addi %mul3A_293, %add3A_294 : i32
          %mul3A_296 = arith.constant 128 : i32
          %mul3A_297 = arith.muli %add3A_295, %mul3A_296 : i32
          %dma_start3A_298 = arith.constant 256 : i32
          %dma_start3A_299 = arith.constant 0 : i32
          %dma_start3A_300 = tpu.memref_slice %arg8[%dma_start3A_298, %dma_start3A_299] : memref<1024x32xf32, #tpu.memory_space<vmem>> -> memref<128x32xf32, #tpu.memory_space<vmem>>
          %dma_start3A_301 = tpu.memref_slice %arg5[%mul3A_297] : memref<13312xi32, #tpu.memory_space<vmem>> -> memref<128xi32, #tpu.memory_space<vmem>>
          %dma_start3A_302 = arith.constant 0 : i32
          %dma_start3A_303 = arith.constant 0 : i32
          %dma_start3A_304 = tpu.memref_slice %arg3[%dma_start3A_302, %dma_start3A_303] : memref<1000000x32xf32, #tpu.memory_space<hbm>> -> memref<1000000x32xf32, #tpu.memory_space<hbm>>
          tpu.enqueue_indirect_dma source(%dma_start3A_304 : memref<1000000x32xf32, #tpu.memory_space<hbm>>) target(%dma_start3A_300 : memref<128x32xf32, #tpu.memory_space<vmem>>) offsets(%dma_start3A_301 : memref<128xi32, #tpu.memory_space<vmem>>) semaphore(%arg11 : memref<!tpu.dma_semaphore, #tpu.memory_space<semaphore_mem>>)
          %mul3A_305 = arith.constant 8 : i32
          %mul3A_306 = arith.muli %add3A_254, %mul3A_305 : i32
          %add3A_307 = arith.constant 3 : i32
          %add3A_308 = arith.addi %mul3A_306, %add3A_307 : i32
          %mul3A_309 = arith.constant 128 : i32
          %mul3A_310 = arith.muli %add3A_308, %mul3A_309 : i32
          %dma_start3A_311 = arith.constant 384 : i32
          %dma_start3A_312 = arith.constant 0 : i32
          %dma_start3A_313 = tpu.memref_slice %arg8[%dma_start3A_311, %dma_start3A_312] : memref<1024x32xf32, #tpu.memory_space<vmem>> -> memref<128x32xf32, #tpu.memory_space<vmem>>
          %dma_start3A_314 = tpu.memref_slice %arg5[%mul3A_310] : memref<13312xi32, #tpu.memory_space<vmem>> -> memref<128xi32, #tpu.memory_space<vmem>>
          %dma_start3A_315 = arith.constant 0 : i32
          %dma_start3A_316 = arith.constant 0 : i32
          %dma_start3A_317 = tpu.memref_slice %arg3[%dma_start3A_315, %dma_start3A_316] : memref<1000000x32xf32, #tpu.memory_space<hbm>> -> memref<1000000x32xf32, #tpu.memory_space<hbm>>
          tpu.enqueue_indirect_dma source(%dma_start3A_317 : memref<1000000x32xf32, #tpu.memory_space<hbm>>) target(%dma_start3A_313 : memref<128x32xf32, #tpu.memory_space<vmem>>) offsets(%dma_start3A_314 : memref<128xi32, #tpu.memory_space<vmem>>) semaphore(%arg11 : memref<!tpu.dma_semaphore, #tpu.memory_space<semaphore_mem>>)
          %mul3A_318 = arith.constant 8 : i32
          %mul3A_319 = arith.muli %add3A_254, %mul3A_318 : i32
          %add3A_320 = arith.constant 4 : i32
          %add3A_321 = arith.addi %mul3A_319, %add3A_320 : i32
          %mul3A_322 = arith.constant 128 : i32
          %mul3A_323 = arith.muli %add3A_321, %mul3A_322 : i32
          %dma_start3A_324 = arith.constant 512 : i32
          %dma_start3A_325 = arith.constant 0 : i32
          %dma_start3A_326 = tpu.memref_slice %arg8[%dma_start3A_324, %dma_start3A_325] : memref<1024x32xf32, #tpu.memory_space<vmem>> -> memref<128x32xf32, #tpu.memory_space<vmem>>
          %dma_start3A_327 = tpu.memref_slice %arg5[%mul3A_323] : memref<13312xi32, #tpu.memory_space<vmem>> -> memref<128xi32, #tpu.memory_space<vmem>>
          %dma_start3A_328 = arith.constant 0 : i32
          %dma_start3A_329 = arith.constant 0 : i32
          %dma_start3A_330 = tpu.memref_slice %arg3[%dma_start3A_328, %dma_start3A_329] : memref<1000000x32xf32, #tpu.memory_space<hbm>> -> memref<1000000x32xf32, #tpu.memory_space<hbm>>
          tpu.enqueue_indirect_dma source(%dma_start3A_330 : memref<1000000x32xf32, #tpu.memory_space<hbm>>) target(%dma_start3A_326 : memref<128x32xf32, #tpu.memory_space<vmem>>) offsets(%dma_start3A_327 : memref<128xi32, #tpu.memory_space<vmem>>) semaphore(%arg11 : memref<!tpu.dma_semaphore, #tpu.memory_space<semaphore_mem>>)
          %mul3A_331 = arith.constant 8 : i32
          %mul3A_332 = arith.muli %add3A_254, %mul3A_331 : i32
          %add3A_333 = arith.constant 5 : i32
          %add3A_334 = arith.addi %mul3A_332, %add3A_333 : i32
          %mul3A_335 = arith.constant 128 : i32
          %mul3A_336 = arith.muli %add3A_334, %mul3A_335 : i32
          %dma_start3A_337 = arith.constant 640 : i32
          %dma_start3A_338 = arith.constant 0 : i32
          %dma_start3A_339 = tpu.memref_slice %arg8[%dma_start3A_337, %dma_start3A_338] : memref<1024x32xf32, #tpu.memory_space<vmem>> -> memref<128x32xf32, #tpu.memory_space<vmem>>
          %dma_start3A_340 = tpu.memref_slice %arg5[%mul3A_336] : memref<13312xi32, #tpu.memory_space<vmem>> -> memref<128xi32, #tpu.memory_space<vmem>>
          %dma_start3A_341 = arith.constant 0 : i32
          %dma_start3A_342 = arith.constant 0 : i32
          %dma_start3A_343 = tpu.memref_slice %arg3[%dma_start3A_341, %dma_start3A_342] : memref<1000000x32xf32, #tpu.memory_space<hbm>> -> memref<1000000x32xf32, #tpu.memory_space<hbm>>
          tpu.enqueue_indirect_dma source(%dma_start3A_343 : memref<1000000x32xf32, #tpu.memory_space<hbm>>) target(%dma_start3A_339 : memref<128x32xf32, #tpu.memory_space<vmem>>) offsets(%dma_start3A_340 : memref<128xi32, #tpu.memory_space<vmem>>) semaphore(%arg11 : memref<!tpu.dma_semaphore, #tpu.memory_space<semaphore_mem>>)
          %mul3A_344 = arith.constant 8 : i32
          %mul3A_345 = arith.muli %add3A_254, %mul3A_344 : i32
          %add3A_346 = arith.constant 6 : i32
          %add3A_347 = arith.addi %mul3A_345, %add3A_346 : i32
          %mul3A_348 = arith.constant 128 : i32
          %mul3A_349 = arith.muli %add3A_347, %mul3A_348 : i32
          %dma_start3A_350 = arith.constant 768 : i32
          %dma_start3A_351 = arith.constant 0 : i32
          %dma_start3A_352 = tpu.memref_slice %arg8[%dma_start3A_350, %dma_start3A_351] : memref<1024x32xf32, #tpu.memory_space<vmem>> -> memref<128x32xf32, #tpu.memory_space<vmem>>
          %dma_start3A_353 = tpu.memref_slice %arg5[%mul3A_349] : memref<13312xi32, #tpu.memory_space<vmem>> -> memref<128xi32, #tpu.memory_space<vmem>>
          %dma_start3A_354 = arith.constant 0 : i32
          %dma_start3A_355 = arith.constant 0 : i32
          %dma_start3A_356 = tpu.memref_slice %arg3[%dma_start3A_354, %dma_start3A_355] : memref<1000000x32xf32, #tpu.memory_space<hbm>> -> memref<1000000x32xf32, #tpu.memory_space<hbm>>
          tpu.enqueue_indirect_dma source(%dma_start3A_356 : memref<1000000x32xf32, #tpu.memory_space<hbm>>) target(%dma_start3A_352 : memref<128x32xf32, #tpu.memory_space<vmem>>) offsets(%dma_start3A_353 : memref<128xi32, #tpu.memory_space<vmem>>) semaphore(%arg11 : memref<!tpu.dma_semaphore, #tpu.memory_space<semaphore_mem>>)
          %mul3A_357 = arith.constant 8 : i32
          %mul3A_358 = arith.muli %add3A_254, %mul3A_357 : i32
          %add3A_359 = arith.constant 7 : i32
          %add3A_360 = arith.addi %mul3A_358, %add3A_359 : i32
          %mul3A_361 = arith.constant 128 : i32
          %mul3A_362 = arith.muli %add3A_360, %mul3A_361 : i32
          %dma_start3A_363 = arith.constant 896 : i32
          %dma_start3A_364 = arith.constant 0 : i32
          %dma_start3A_365 = tpu.memref_slice %arg8[%dma_start3A_363, %dma_start3A_364] : memref<1024x32xf32, #tpu.memory_space<vmem>> -> memref<128x32xf32, #tpu.memory_space<vmem>>
          %dma_start3A_366 = tpu.memref_slice %arg5[%mul3A_362] : memref<13312xi32, #tpu.memory_space<vmem>> -> memref<128xi32, #tpu.memory_space<vmem>>
          %dma_start3A_367 = arith.constant 0 : i32
          %dma_start3A_368 = arith.constant 0 : i32
          %dma_start3A_369 = tpu.memref_slice %arg3[%dma_start3A_367, %dma_start3A_368] : memref<1000000x32xf32, #tpu.memory_space<hbm>> -> memref<1000000x32xf32, #tpu.memory_space<hbm>>
          tpu.enqueue_indirect_dma source(%dma_start3A_369 : memref<1000000x32xf32, #tpu.memory_space<hbm>>) target(%dma_start3A_365 : memref<128x32xf32, #tpu.memory_space<vmem>>) offsets(%dma_start3A_366 : memref<128xi32, #tpu.memory_space<vmem>>) semaphore(%arg11 : memref<!tpu.dma_semaphore, #tpu.memory_space<semaphore_mem>>)
        } else {
        }
      } else {
      }
    }
    %scan3A_199 = arith.constant 5 : i32
    %dma_wait3A = arith.constant 0 : i32
    %dma_wait3A_200 = arith.constant 0 : i32
    %dma_wait3A_201 = tpu.memref_slice %arg4[%dma_wait3A, %dma_wait3A_200] : memref<425984x32xf32, #tpu.memory_space<hbm>> -> memref<1024x32xf32, #tpu.memory_space<hbm>>
    %dma_wait3A_202 = arith.constant 0 : i32
    %dma_wait3A_203 = arith.constant 0 : i32
    %dma_wait3A_204 = tpu.memref_slice %arg4[%dma_wait3A_202, %dma_wait3A_203] : memref<425984x32xf32, #tpu.memory_space<hbm>> -> memref<1024x32xf32, #tpu.memory_space<hbm>>
    tpu.wait_dma2 semaphore(%arg12 : memref<!tpu.dma_semaphore, #tpu.memory_space<semaphore_mem>>) src(%arg6 : memref<1024x32xf32, #tpu.memory_space<vmem>>) dst(%dma_wait3A_204 : memref<1024x32xf32, #tpu.memory_space<hbm>>)
    %dma_wait3A_205 = arith.constant 0 : i32
    %dma_wait3A_206 = arith.constant 0 : i32
    %dma_wait3A_207 = tpu.memref_slice %arg4[%dma_wait3A_205, %dma_wait3A_206] : memref<425984x32xf32, #tpu.memory_space<hbm>> -> memref<1024x32xf32, #tpu.memory_space<hbm>>
    %dma_wait3A_208 = arith.constant 0 : i32
    %dma_wait3A_209 = arith.constant 0 : i32
    %dma_wait3A_210 = tpu.memref_slice %arg4[%dma_wait3A_208, %dma_wait3A_209] : memref<425984x32xf32, #tpu.memory_space<hbm>> -> memref<1024x32xf32, #tpu.memory_space<hbm>>
    tpu.wait_dma2 semaphore(%arg13 : memref<!tpu.dma_semaphore, #tpu.memory_space<semaphore_mem>>) src(%arg7 : memref<1024x32xf32, #tpu.memory_space<vmem>>) dst(%dma_wait3A_210 : memref<1024x32xf32, #tpu.memory_space<hbm>>)
    %dma_wait3A_211 = arith.constant 0 : i32
    %dma_wait3A_212 = arith.constant 0 : i32
    %dma_wait3A_213 = tpu.memref_slice %arg4[%dma_wait3A_211, %dma_wait3A_212] : memref<425984x32xf32, #tpu.memory_space<hbm>> -> memref<1024x32xf32, #tpu.memory_space<hbm>>
    %dma_wait3A_214 = arith.constant 0 : i32
    %dma_wait3A_215 = arith.constant 0 : i32
    %dma_wait3A_216 = tpu.memref_slice %arg4[%dma_wait3A_214, %dma_wait3A_215] : memref<425984x32xf32, #tpu.memory_space<hbm>> -> memref<1024x32xf32, #tpu.memory_space<hbm>>
    tpu.wait_dma2 semaphore(%arg14 : memref<!tpu.dma_semaphore, #tpu.memory_space<semaphore_mem>>) src(%arg8 : memref<1024x32xf32, #tpu.memory_space<vmem>>) dst(%dma_wait3A_216 : memref<1024x32xf32, #tpu.memory_space<hbm>>)
    return
  }
}

</mosaic_0001>

<sc_bundles>
// kernel: kernel.3.cloned.1.call-start
scs
__scs_entry_jumppad:
0x0: {  	(pc) =	sbr.rel $0x88, $3  }
0x1: {  	(tag) =	ssettag $0x0;
	lr =	simm.s32 $0x1  }
0x2: {  	[smem:$0x3F9F] =	sst lr;
	_ =	strace $0xD0000000  }
0x3: {  	_ = 	snop  }
0x4: {  	_ = 	snop  }
0x5: {  	_ = 	snop  }
0x6: {  	_ = 	snop  }
0x7: {  	_ = 	snop  }
__scs_overlays_trampoline_lowered:
0x8: {  	[smem:$0x3FAE] =	sst s0  }
0x9: {  	[smem:$0x3FAF] =	sst s1  }
0xa: {  	[smem:$0x3FB0] =	sst s2  }
0xb: {  	[smem:$0x3FB1] =	sst s3  }
0xc: {  	[smem:$0x3FB2] =	sst s4  }
0xd: {  	[smem:$0x3FB3] =	sst s5  }
0xe: {  	[smem:$0x3FB4] =	sst s6  }
0xf: {  	[smem:$0x3FB5] =	sst s7  }
0x10: {  	[smem:$0x3FB6] =	sst s8  }
0x11: {  	[smem:$0x3FB7] =	sst s9;
	s0 =	simm.s32 @!p0 $0x0  }
0x12: {  	s1 =	sld [smem:$0x3F9D];
	s0 =	simm.s32 @p0 $0x1  }
0x13: {  	[smem:$0x3FB8] =	sst s0;
	s0 =	simm.s32 @!p1 $0x0  }
0x14: {  	s2 =	sld [smem:$0x3F9C];
	s0 =	simm.s32 @p1 $0x1  }
0x15: {  	[smem:$0x3FB9] =	sst s0;
	s0 =	simm.s32 @!p2 $0x0  }
0x16: {  	s3 =	sld [smem:$0x3FDB];
	s0 =	simm.s32 @p2 $0x1  }
0x17: {  	s4 =	simm.s32 $0x1BF5;
	[smem:$0x3FBB] =	sst s0  }
0x18: {  	s0 =	sld [smem:$0x3F9E];
	_ =	swait.ge [sflag:s4], $0x0  }
0x19: {  	s7 =	sld [smem:$0x3F9F]  }
0x1a: {  	s8 =	sadd.s32 $0xFFFFE003, lr  }
0x1b: {  	s9 =	sadd.s32 $0xFFFFFEF7, lr;
	s5 =	simm.s32 $0xFFFFFFFF;
	p2 =	slt.u32 s8, $0xFFFFF086  }
0x1c: {  	p1 =	slt.u32 s9, $0xF7A;
	s5 =	simm.s32 @!p2 $0x0  }
0x1d: {  	s5 =	simm.s32 @p1 $0x1;
	p0 =	seq.s32 s7, s2  }
0x1e: {  	s7 =	smul.u32 @!p0 $0xF7A, s2;
	p2 =	seq.s32 @!p0 s5, $0x0  }
0x1f: {  	s9 =	smul.u32 $0xF7A, s1;
	s8 =	simm.s32 @!p0 $0x1BF5;
	p2 =	por !p2, p0  }
0x20: {  	[sflag:s8] =	ssyncset.s32 @!p0 $0xFFFFF086;
	s6 =	sadd.s32 @!p0 s3, s7;
	s7 =	simm.s32 @!p0 $0x108  }
0x21: {  	s3 =	sadd.s32 s3, s9;
	s6 =	sadd.s32 @!p0 $0x88, s6;
	s7 =	simm.s32 @p2 $0x1082  }
0x22: {  	[simem:s7], [sflag:s8] =	dma.local @!p0 [hbm:s6], $0xF7A  }
0x23: {  	s9 =	sor.u32 $0xD0000000, s2;
	s6 =	simm.s32 $0x108;
	_ =	swait.ge @!p0 [sflag:s8], $0x0  }
0x24: {  	s3 =	sadd.s32 $0x88, s3;
	s6 =	simm.s32 @!p1 $0x1082;
	[sflag:s4] =	ssyncset.s32 $0xFFFFF086  }
0x25: {  	[simem:s6], [sflag:s4] =	dma.local [hbm:s3], $0xF7A  }
0x26: {  	[smem:$0x3F9F] =	sst s1;
	(tag) =	ssettag s2;
	_ =	strace s9  }
0x27: {  	s1 =	sld [smem:$0x3FAF]  }
0x28: {  	s2 =	sld [smem:$0x3FB0]  }
0x29: {  	s4 =	sld [smem:$0x3FB2]  }
0x2a: {  	p0 =	seq.s32 s5, $0x0;
	s5 =	sld [smem:$0x3FB3]  }
0x2b: {  	s6 =	sld [smem:$0x3FB4]  }
0x2c: {  	s7 =	sld [smem:$0x3FB5]  }
0x2d: {  	s3 =	simm.s32 $0x108;
	s8 =	sld [smem:$0x3FB6]  }
0x2e: {  	s3 =	simm.s32 @!p0 $0x1082;
	s9 =	sld [smem:$0x3FB7]  }
0x2f: {  	lr =	sadd.s32 s0, s3;
	s0 =	sld [smem:$0x3FAE]  }
0x30: {  	s3 =	sld [smem:$0x3FB1]  }
0x31: {  	[smem:$0x3FBA] =	sst s10  }
0x32: {  	s10 =	sld [smem:$0x3FB8];
	_ =	sdelay $0x3  }
0x33: {  	p0 =	seq.s32 s10, $0x1;
	s10 =	sld [smem:$0x3FBA];
	_ =	sdelay $0x3  }
0x34: {  	[smem:$0x3FBA] =	sst s10  }
0x35: {  	s10 =	sld [smem:$0x3FB9];
	_ =	sdelay $0x3  }
0x36: {  	p1 =	seq.s32 s10, $0x1;
	s10 =	sld [smem:$0x3FBA];
	_ =	sdelay $0x3  }
0x37: {  	[smem:$0x3FBA] =	sst s10  }
0x38: {  	s10 =	sld [smem:$0x3FBB]  }
0x39: {  	_ = 	snop;
	(pc) =	sbr.ind lr, $3  }
0x3a: {  	_ = 	snop  }
0x3b: {  	_ = 	snop  }
0x3c: {  	p2 =	seq.s32 s10, $0x1;
	s10 =	sld [smem:$0x3FBA]  }
0x3d: {  	_ =	shalt  }
0x3e: {  	_ =	shalt  }
0x3f: {  	_ =	shalt  }
0x40: {  	_ =	shalt  }
0x41: {  	_ =	shalt  }
0x42: {  	_ =	shalt  }
0x43: {  	_ =	shalt  }
0x44: {  	_ =	shalt  }
0x45: {  	_ =	shalt  }
0x46: {  	_ =	shalt  }
0x47: {  	_ =	shalt  }
0x48: {  	_ =	shalt  }
0x49: {  	_ =	shalt  }
0x4a: {  	_ =	shalt  }
0x4b: {  	_ =	shalt  }
0x4c: {  	_ =	shalt  }
0x4d: {  	_ =	shalt  }
0x4e: {  	_ =	shalt  }
0x4f: {  	_ =	shalt  }
0x50: {  	_ =	shalt  }
0x51: {  	_ =	shalt  }
0x52: {  	_ =	shalt  }
0x53: {  	_ =	shalt  }
0x54: {  	_ =	shalt  }
0x55: {  	_ =	shalt  }
0x56: {  	_ =	shalt  }
0x57: {  	_ =	shalt  }
0x58: {  	_ =	shalt  }
0x59: {  	_ =	shalt  }
0x5a: {  	_ =	shalt  }
0x5b: {  	_ =	shalt  }
0x5c: {  	_ =	shalt  }
0x5d: {  	_ =	shalt  }
0x5e: {  	_ =	shalt  }
0x5f: {  	_ =	shalt  }
0x60: {  	_ =	shalt  }
0x61: {  	_ =	shalt  }
0x62: {  	_ =	shalt  }
0x63: {  	_ =	shalt  }
0x64: {  	_ =	shalt  }
0x65: {  	_ =	shalt  }
0x66: {  	_ =	shalt  }
0x67: {  	_ =	shalt  }
0x68: {  	_ =	shalt  }
0x69: {  	_ =	shalt  }
0x6a: {  	_ =	shalt  }
0x6b: {  	_ =	shalt  }
0x6c: {  	_ =	shalt  }
0x6d: {  	_ =	shalt  }
0x6e: {  	_ =	shalt  }
0x6f: {  	_ =	shalt  }
0x70: {  	_ =	shalt  }
0x71: {  	_ =	shalt  }
0x72: {  	_ =	shalt  }
0x73: {  	_ =	shalt  }
0x74: {  	_ =	shalt  }
0x75: {  	_ =	shalt  }
0x76: {  	_ =	shalt  }
0x77: {  	_ =	shalt  }
0x78: {  	_ =	shalt  }
0x79: {  	_ =	shalt  }
0x7a: {  	_ =	shalt  }
0x7b: {  	_ =	shalt  }
0x7c: {  	_ =	shalt  }
0x7d: {  	_ =	shalt  }
0x7e: {  	_ =	shalt  }
0x7f: {  	_ =	shalt  }
0x80: {  	_ =	shalt  }
0x81: {  	_ =	shalt  }
0x82: {  	_ =	shalt  }
0x83: {  	_ =	shalt  }
0x84: {  	_ =	shalt  }
0x85: {  	_ =	shalt  }
0x86: {  	_ =	shalt  }
0x87: {  	_ =	shalt  }
.Lfunc_end0:
.L_simem_size_0:
called_computation.1_lowered:
.L_overlay_start_0:
0x88: {  	s2 =	sld [smem:$0x3FD9]  }
0x89: {  	s3 =	sld [smem:$0x3FFE];
	_ =	sdelay $0x1  }
0x8a: {  	s1 =	srdreg.scid  }
0x8b: {  	s0 =	sand.u32 $0x1, s1  }
0x8c: {  	s17 =	sshll.u32 s0, $0xA;
	s2 =	sadd.s32 s3, s2  }
0x8d: {  	s2 =	sadd.s32 s2, s17  }
0x8e: {  	[smem:$0x3FC6] =	sst s2  }
0x8f: {  	_ = 	snop  }
0x90: {  	s2 =	sld [smem:$0x3FD0];
	(tm) =	ssettm $0x1  }
0x91: {  	s18 =	sld [smem:$0x3FFB];
	_ =	sdelay $0x3  }
0x92: {  	_ =	strace s18  }
0x93: {  	s3 =	sld [smem:$0x3FFC];
	_ =	sdelay $0x3  }
0x94: {  	_ =	strace s3  }
0x95: {  	s3 =	sld [smem:$0x3FFD];
	_ =	sdelay $0x3  }
0x96: {  	_ =	strace s3  }
0x97: {  	_ =	strace $0x8FFFFFFF  }
0x98: {  	s19 =	sld [smem:$0x3FDB];
	_ =	sdelay $0x1  }
0x99: {  	s4 =	simm.s32 $_scs_section_size  }
0x9a: {  	s5 =	simm.s32 $_size__tile_overlayer_lowered;
	s6 =	simm.s32 $_tile_overlayer_lowered  }
0x9b: {  	s22 =	simm.s32 $0x1BFF;
	s21 =	sshll.u32 s6, $0x1;
	s3 =	sadd.s32 s4, s19  }
0x9c: {  	s7 =	simm.s32 $0x0;
	s20 =	sshll.u32 s5, $0x1;
	s5 =	sadd.s32 s21, s3  }
0x9d: {  	[timem:s7], [sflag:s22] =	dma.local [hbm:s5], s20  }
0x9e: {  	_ =	swait.ge [sflag:s22], s20  }
0x9f: {  	s4 =	ssub.s32 $0x0, s20;
	[sflag:s22] =	ssyncset.done $0x0  }
0xa0: {  	[sflag:s22] =	ssyncadd.s32 s4;
	_ =	sdelay $0x1  }
0xa1: {  	s23 =	simm.s32 $0x1B8B  }
0xa2: {  	_ =	swait.ge [sflag:s23], $0x1  }
0xa3: {  	[sflag:s23] =	ssyncset.done $0x0  }
0xa4: {  	s25 =	simm.s32 $0x1B8E;
	s24 =	sld [smem:$0x3FFE];
	[sflag:s23] =	ssyncadd.s32 $0xFFFFFFFF  }
0xa5: {  	s26 =	simm.s32 $execute0_lowered;
	[smem:$0x3FD2] =	sst s25  }
0xa6: {  	s5 =	sshll.u32 s26, $0x1;
	_ =	strace $0x80000046;
	[dreg:$0x1] =	wrdreg $0xFFFFFFFF  }
0xa7: {  	s28 =	simm.s32 $_size_execute0_lowered;
	s3 =	sadd.s32 s3, s5;
	[dreg:$0x0] =	wrdreg $0x0  }
0xa8: {  	s5 =	sshll.u32 s28, $0x1;
	[dreg:$0x2] =	wrdreg s3  }
0xa9: {  	[dreg:$0x3] =	wrdreg s5  }
0xaa: {  	[dreg:$0x4] =	wrdreg $0xC0  }
0xab: {  	_ =	task [dreg:s7], $0x5FFFF  }
0xac: {  	[dreg:$0x1] =	wrdreg $0xFFFFFFFF  }
0xad: {  	[dreg:$0x0] =	wrdreg $0x60  }
0xae: {  	[dreg:$0x2] =	wrdreg s24  }
0xaf: {  	[dreg:$0x3] =	wrdreg s2  }
0xb0: {  	[dreg:$0x4] =	wrdreg $0x9  }
0xb1: {  	_ =	task.clear_ibuf [dreg:s7], $0x5FFFF;
	_ =	strace $0x90000046  }
0xb2: {  	s29 =	simm.s32 $0x9;
	_ =	strace $0x80000048  }
0xb3: {  	_ =	swait.ge [sflag:s29], $0x1  }
0xb4: {  	[sflag:s29] =	ssyncadd.s32 $0xFFFFFFFF  }
0xb5: {  	_ =	strace $0x90000048  }
0xb6: {  	_ =	sfence  }
0xb7: {  	s30 =	sld [smem:$0x0];
	_ =	sdelay $0x2  }
0xb8: {  	s31 =	sshll.u32 s1, $0xD;
	s1 =	sshrl.u32 s1, $0x2  }
0xb9: {  	s3 =	sand.u32 $0x4000, s31;
	s1 =	sadd.s32 s1, s30  }
0xba: {  	s0 =	sor.u32 s3, s0;
	s1 =	sshll.u32 s1, $0x11  }
0xbb: {  	s0 =	sor.u32 s1, s0  }
0xbc: {  	s0 =	sadd.s32 $0x8F2B, s0  }
0xbd: {  	[sflag:s0] =	ssyncadd.remote.s32 $0x1  }
0xbe: {  	_ =	sfence.sel $0xFFFF  }
0xbf: {  	[dreg:$0x0] =	wrdreg $0xFFFFFFFF;
	(pc) =	sbr.abs _section_cstart, $3  }
0xc0: {  	[dreg:$0x1] =	wrdreg $0xFFFFFFFF  }
0xc1: {  	_ =	task.clear_ibuf [dreg:s7], $0x2FFFF;
	_ =	strace $0x9FFFFFFF  }
0xc2: {  	(tm) =	ssettm $0x7FFFFFFF  }
0xc3: {  	_ =	shalt  }
tec
execute0_lowered:
.L_overlay_start_1:
0x0: {  	(tag) =	ssettag $0x1  }
0x1: {  	s0 =	rddreg [dreg:$0x0];
	s1 =	srdreg.scid  }
0x2: {  	s9 =	stileid.u32;
	s4 =	rddreg [dreg:$0x1];
	s2 =	simm.s32 $0x0  }
0x3: {  	s10 =	simm.s32 $0x80;
	s11 =	simm.s32 $0x3400;
	s12 =	simm.s32 $0x4400  }
0x4: {  	s14 =	simm.s32 $0x5400;
	s16 =	simm.s32 $0x6400;
	s18 =	simm.s32 $0x7400  }
0x5: {  	s20 =	simm.s32 $0x8400;
	s22 =	simm.s32 $0x9400;
	s21 =	simm.s32 $0x18400  }
0x6: {  	s29 =	simm.s32 $0x4;
	s31 =	simm.s32 $0x5;
	s15 =	simm.s32 $0x2  }
0x7: {  	s19 =	simm.s32 $0x3;
	s1 =	sand.u32 $0x1, s1;
	s5 =	smul.u32 $0xD0000, s9  }
0x8: {  	s3 =	sshll.u32 s9, $0x1;
	[smem:$0x7FF] =	sst s2;
	s26 =	smul.u32 $0x1A000, s9  }
0x9: {  	s9 =	simm.s32 $0x1;
	s3 =	sor.u32 s1, s3;
	s7 =	smul.u32 $0x68000, s1  }
0xa: {  	_ =	strace $0x80000047;
	s6 =	ssub.s32 $0x2, s1;
	s3 =	smul.u32 $0x3400, s3  }
0xb: {  	s1 =	smul.u32 $0xD000, s1;
	s23 =	sshrl.u32 s6, $0x1;
	s30 =	sadd.s32 s26, s4  }
0xc: {  	s26 =	simm.s32 $0xB400;
	s5 =	sadd.s32 s7, s5;
	s3 =	sshrl.u32 s3, $0x3  }
0xd: {  	s25 =	sadd.s32 $0x10000, s5;
	s5 =	sadd.s32 $0x8000, s5;
	s8 =	sadd.s32 s3, s0  }
0xe: {  	s3 =	sadd.s32 $0xF42E00, s0;
	s0 =	ssub.s32 s6, s23;
	s28 =	sshrl.u32 s5, $0x3  }
.Ltmp0:
0xf: {  	s5 =	simm.s32 $0x1A400;
	s23 =	simm.s32 $0x0;
	(pc) =	sbr.rel .LBB2_1-.Ltmp0, $4  }
0x10: {  	s24 =	sadd.s32 $0xA00, s8;
	s0 =	smax.u32 s0, $0x1;
	s7 =	sadd.s32 s28, s4  }
0x11: {  	s8 =	sadd.s32 s1, s30;
	s1 =	simm.s32 $0x13400;
	[dreg:$0x3] =	wrdreg s24  }
0x12: {  	[dreg:$0x4] =	wrdreg s0;
	s0 =	sshrl.u32 s25, $0x3;
	s24 =	simm.s32 $0xA400  }
0x13: {  	s6 =	sadd.s32 s0, s4;
	s4 =	simm.s32 $0x19400;
	s0 =	simm.s32 $0x6  }
.LBB2_7:
0x14: {  	_ =	swait.ge [sflag:s29], $0x8000  }
0x15: {  	[sflag:s29] =	ssyncset.done $0x0  }
0x16: {  	[sflag:s29] =	ssyncadd.s32 $0xFFFF8000  }
0x17: {  	_ =	swait.ge [sflag:s31], $0x8000  }
0x18: {  	[sflag:s31] =	ssyncset.done $0x0  }
0x19: {  	[sflag:s31] =	ssyncadd.s32 $0xFFFF8000  }
0x1a: {  	_ =	swait.ge [sflag:s0], $0x8000  }
0x1b: {  	s23 =	sadd.s32 $0x1, s23;
	s13 =	rddreg [dreg:$0x4]  }
0x1c: {  	p0 =	sne.s32 s23, s13  }
.Ltmp1:
0x1d: {  	_ = 	snop;
	(pc) =	sbr.rel @!p0 .LBB2_8-.Ltmp1, $3  }
0x1e: {  	_ =	sdelay $0x1  }
0x1f: {  	[sflag:s0] =	ssyncset.done $0x0  }
0x20: {  	[sflag:s0] =	ssyncadd.s32 $0xFFFF8000  }
.LBB2_1:
0x21: {  	s13 =	rddreg [dreg:$0x3];
	s17 =	simm.s32 $0x7  }
0x22: {  	[tilespmem:s2], [sflag:$0x7] =	stream.linear.gather [hbm4b:s13+s2], $0x3400, $0x38;
	[tilespmem:$0x1B400] =	vst v63  }
0x23: {  	_ =	swait.ge [sflag:s17], $0x3400  }
0x24: {  	[sflag:s17] =	ssyncset.done $0x0  }
0x25: {  	[sflag:s17] =	ssyncadd.s32 $0xFFFFCC00  }
0x26: {  	[tilespmem:s11], [sflag:$0x1] =	stream.indirect.gather [hbm4b:s3+s10], $0x20, s2, s10, $0xb8;
	[tilespmem:$0x1B400] =	vst v63  }
0x27: {  	_ = 	snop  }
0x28: {  	[tilespmem:s12], [sflag:$0x1] =	stream.indirect.gather [hbm4b:s3+s10], $0x20, s10, s10, $0xb8;
	[tilespmem:$0x1B400] =	vst v63  }
0x29: {  	s25 =	simm.s32 $0x100  }
0x2a: {  	[tilespmem:s14], [sflag:$0x1] =	stream.indirect.gather [hbm4b:s3+s10], $0x20, s25, s10, $0xb8;
	[tilespmem:$0x1B400] =	vst v63  }
0x2b: {  	s30 =	simm.s32 $0x180  }
0x2c: {  	[tilespmem:s16], [sflag:$0x1] =	stream.indirect.gather [hbm4b:s3+s10], $0x20, s30, s10, $0xb8;
	[tilespmem:$0x1B400] =	vst v63  }
0x2d: {  	s17 =	simm.s32 $0x200  }
0x2e: {  	[tilespmem:s18], [sflag:$0x1] =	stream.indirect.gather [hbm4b:s3+s10], $0x20, s17, s10, $0xb8;
	[tilespmem:$0x1B400] =	vst v63  }
0x2f: {  	s25 =	simm.s32 $0x280  }
0x30: {  	[tilespmem:s20], [sflag:$0x1] =	stream.indirect.gather [hbm4b:s3+s10], $0x20, s25, s10, $0xb8;
	[tilespmem:$0x1B400] =	vst v63  }
0x31: {  	s30 =	simm.s32 $0x300  }
0x32: {  	[tilespmem:s22], [sflag:$0x1] =	stream.indirect.gather [hbm4b:s3+s10], $0x20, s30, s10, $0xb8;
	[tilespmem:$0x1B400] =	vst v63  }
0x33: {  	s17 =	simm.s32 $0x380  }
0x34: {  	[tilespmem:s24], [sflag:$0x1] =	stream.indirect.gather [hbm4b:s3+s10], $0x20, s17, s10, $0xb8;
	[tilespmem:$0x1B400] =	vst v63  }
0x35: {  	s25 =	simm.s32 $0x400  }
0x36: {  	[tilespmem:s26], [sflag:$0x2] =	stream.indirect.gather [hbm4b:s3+s10], $0x20, s25, s10, $0xb8;
	[tilespmem:$0x1B400] =	vst v63  }
0x37: {  	s30 =	simm.s32 $0x480;
	s17 =	simm.s32 $0xC400  }
0x38: {  	[tilespmem:s17], [sflag:$0x2] =	stream.indirect.gather [hbm4b:s3+s10], $0x20, s30, s10, $0xb8;
	[tilespmem:$0x1B400] =	vst v63  }
0x39: {  	s25 =	simm.s32 $0x500;
	s30 =	simm.s32 $0xD400  }
0x3a: {  	[tilespmem:s30], [sflag:$0x2] =	stream.indirect.gather [hbm4b:s3+s10], $0x20, s25, s10, $0xb8;
	[tilespmem:$0x1B400] =	vst v63  }
0x3b: {  	s25 =	simm.s32 $0x580;
	s30 =	simm.s32 $0xE400  }
0x3c: {  	[tilespmem:s30], [sflag:$0x2] =	stream.indirect.gather [hbm4b:s3+s10], $0x20, s25, s10, $0xb8;
	[tilespmem:$0x1B400] =	vst v63  }
0x3d: {  	s25 =	simm.s32 $0x600;
	s30 =	simm.s32 $0xF400  }
0x3e: {  	[tilespmem:s30], [sflag:$0x2] =	stream.indirect.gather [hbm4b:s3+s10], $0x20, s25, s10, $0xb8;
	[tilespmem:$0x1B400] =	vst v63  }
0x3f: {  	s25 =	simm.s32 $0x680;
	s30 =	simm.s32 $0x10400  }
0x40: {  	[tilespmem:s30], [sflag:$0x2] =	stream.indirect.gather [hbm4b:s3+s10], $0x20, s25, s10, $0xb8;
	[tilespmem:$0x1B400] =	vst v63  }
0x41: {  	s25 =	simm.s32 $0x700;
	s30 =	simm.s32 $0x11400  }
0x42: {  	[tilespmem:s30], [sflag:$0x2] =	stream.indirect.gather [hbm4b:s3+s10], $0x20, s25, s10, $0xb8;
	[tilespmem:$0x1B400] =	vst v63  }
0x43: {  	s25 =	simm.s32 $0x780;
	s30 =	simm.s32 $0x12400  }
0x44: {  	[tilespmem:s30], [sflag:$0x2] =	stream.indirect.gather [hbm4b:s3+s10], $0x20, s25, s10, $0xb8;
	[tilespmem:$0x1B400] =	vst v63  }
0x45: {  	s17 =	simm.s32 $0x800  }
0x46: {  	[tilespmem:s1], [sflag:$0x3] =	stream.indirect.gather [hbm4b:s3+s10], $0x20, s17, s10, $0xb8;
	[tilespmem:$0x1B400] =	vst v63  }
0x47: {  	s25 =	simm.s32 $0x880;
	s30 =	simm.s32 $0x14400  }
0x48: {  	[tilespmem:s30], [sflag:$0x3] =	stream.indirect.gather [hbm4b:s3+s10], $0x20, s25, s10, $0xb8;
	[tilespmem:$0x1B400] =	vst v63  }
0x49: {  	s25 =	simm.s32 $0x900;
	s30 =	simm.s32 $0x15400  }
0x4a: {  	[tilespmem:s30], [sflag:$0x3] =	stream.indirect.gather [hbm4b:s3+s10], $0x20, s25, s10, $0xb8;
	[tilespmem:$0x1B400] =	vst v63  }
0x4b: {  	s25 =	simm.s32 $0x980;
	s30 =	simm.s32 $0x16400  }
0x4c: {  	[tilespmem:s30], [sflag:$0x3] =	stream.indirect.gather [hbm4b:s3+s10], $0x20, s25, s10, $0xb8;
	[tilespmem:$0x1B400] =	vst v63  }
0x4d: {  	s25 =	simm.s32 $0xA00;
	s30 =	simm.s32 $0x17400  }
0x4e: {  	[tilespmem:s30], [sflag:$0x3] =	stream.indirect.gather [hbm4b:s3+s10], $0x20, s25, s10, $0xb8;
	[tilespmem:$0x1B400] =	vst v63  }
0x4f: {  	s17 =	simm.s32 $0xA80  }
0x50: {  	[tilespmem:s21], [sflag:$0x3] =	stream.indirect.gather [hbm4b:s3+s10], $0x20, s17, s10, $0xb8;
	[tilespmem:$0x1B400] =	vst v63  }
.Ltmp2:
0x51: {  	_ = 	snop;
	(pc) =	sbr.rel .LBB2_2-.Ltmp2, $4  }
0x52: {  	s25 =	simm.s32 $0xB00  }
0x53: {  	[tilespmem:s4], [sflag:$0x3] =	stream.indirect.gather [hbm4b:s3+s10], $0x20, s25, s10, $0xb8;
	[tilespmem:$0x1B400] =	vst v63  }
0x54: {  	s28 =	simm.s32 $0x0;
	s30 =	simm.s32 $0xB80;
	s17 =	simm.s32 $0x0  }
0x55: {  	[tilespmem:s5], [sflag:$0x3] =	stream.indirect.gather [hbm4b:s3+s10], $0x20, s30, s10, $0xb8;
	[tilespmem:$0x1B400] =	vst v63  }
.LBB2_5:
0x56: {  	_ =	swait.ge [sflag:s19], $0x8000  }
0x57: {  	[sflag:s19] =	ssyncset.done $0x0  }
0x58: {  	s13 =	sadd.s32 s28, s6;
	[sflag:s19] =	ssyncadd.s32 $0xFFFF8000  }
0x59: {  	[hbm4b:s13+s2] =	stream.linear.scatter [tilespmem:s1], [sflag:$0x6], $0x8000, $0x38;
	[tilespmem:$0x1B400] =	vst v63  }
.LBB2_6:
0x5a: {  	s28 =	sadd.s32 $0x3000, s28  }
0x5b: {  	p0 =	sne.s32 s28, $0xF000  }
.Ltmp3:
0x5c: {  	_ = 	snop;
	(pc) =	sbr.rel @!p0 .LBB2_7-.Ltmp3, $2  }
0x5d: {  	_ =	sdelay $0x2  }
0x5e: {  	s17 =	sadd.s32 $0x1, s17  }
.LBB2_2:
0x5f: {  	p0 =	seq.s32 s28, $0xC000  }
.Ltmp4:
0x60: {  	_ = 	snop;
	(pc) =	sbr.rel @p0 .LBB2_7-.Ltmp4, $4  }
0x61: {  	_ =	swait.ge [sflag:s9], $0x8000  }
0x62: {  	[sflag:s9] =	ssyncset.done $0x0  }
0x63: {  	s25 =	sadd.s32 s28, s8;
	[sflag:s9] =	ssyncadd.s32 $0xFFFF8000  }
0x64: {  	[hbm4b:s25+s2] =	stream.linear.scatter [tilespmem:s11], [sflag:$0x4], $0x8000, $0x38;
	[tilespmem:$0x1B400] =	vst v63  }
0x65: {  	_ =	swait.ge [sflag:s29], $0x8000  }
0x66: {  	s25 =	sshra.s32 s28, $0x2;
	[sflag:s29] =	ssyncset.done $0x0  }
0x67: {  	s13 =	sadd.s32 $0xC00, s25;
	[sflag:s29] =	ssyncadd.s32 $0xFFFF8000  }
0x68: {  	[tilespmem:s11], [sflag:$0x1] =	stream.indirect.gather [hbm4b:s3+s10], $0x20, s13, s10, $0xb8;
	[tilespmem:$0x1B400] =	vst v63  }
0x69: {  	s30 =	sadd.s32 $0xC80, s25  }
0x6a: {  	[tilespmem:s12], [sflag:$0x1] =	stream.indirect.gather [hbm4b:s3+s10], $0x20, s30, s10, $0xb8;
	[tilespmem:$0x1B400] =	vst v63  }
0x6b: {  	s30 =	sadd.s32 $0xD00, s25  }
0x6c: {  	[tilespmem:s14], [sflag:$0x1] =	stream.indirect.gather [hbm4b:s3+s10], $0x20, s30, s10, $0xb8;
	[tilespmem:$0x1B400] =	vst v63  }
0x6d: {  	s30 =	sadd.s32 $0xD80, s25  }
0x6e: {  	[tilespmem:s16], [sflag:$0x1] =	stream.indirect.gather [hbm4b:s3+s10], $0x20, s30, s10, $0xb8;
	[tilespmem:$0x1B400] =	vst v63  }
0x6f: {  	s30 =	sadd.s32 $0xE00, s25  }
0x70: {  	[tilespmem:s18], [sflag:$0x1] =	stream.indirect.gather [hbm4b:s3+s10], $0x20, s30, s10, $0xb8;
	[tilespmem:$0x1B400] =	vst v63  }
0x71: {  	s30 =	sadd.s32 $0xE80, s25  }
0x72: {  	[tilespmem:s20], [sflag:$0x1] =	stream.indirect.gather [hbm4b:s3+s10], $0x20, s30, s10, $0xb8;
	[tilespmem:$0x1B400] =	vst v63  }
0x73: {  	s30 =	sadd.s32 $0xF00, s25  }
0x74: {  	[tilespmem:s22], [sflag:$0x1] =	stream.indirect.gather [hbm4b:s3+s10], $0x20, s30, s10, $0xb8;
	[tilespmem:$0x1B400] =	vst v63  }
0x75: {  	p0 =	sgt.u32 s17, $0x2;
	s30 =	sadd.s32 $0xF80, s25  }
0x76: {  	[tilespmem:s24], [sflag:$0x1] =	stream.indirect.gather [hbm4b:s3+s10], $0x20, s30, s10, $0xb8;
	[tilespmem:$0x1B400] =	vst v63  }
.Ltmp5:
0x77: {  	_ = 	snop;
	(pc) =	sbr.rel @p0 .LBB2_5-.Ltmp5, $4  }
0x78: {  	_ =	swait.ge [sflag:s15], $0x8000  }
0x79: {  	[sflag:s15] =	ssyncset.done $0x0  }
0x7a: {  	s30 =	sadd.s32 s28, s7;
	[sflag:s15] =	ssyncadd.s32 $0xFFFF8000  }
0x7b: {  	[hbm4b:s30+s2] =	stream.linear.scatter [tilespmem:s26], [sflag:$0x5], $0x8000, $0x38;
	[tilespmem:$0x1B400] =	vst v63  }
0x7c: {  	_ =	swait.ge [sflag:s31], $0x8000  }
0x7d: {  	[sflag:s31] =	ssyncset.done $0x0  }
0x7e: {  	s13 =	sadd.s32 $0x1000, s25;
	[sflag:s31] =	ssyncadd.s32 $0xFFFF8000  }
0x7f: {  	[tilespmem:s26], [sflag:$0x2] =	stream.indirect.gather [hbm4b:s3+s10], $0x20, s13, s10, $0xb8;
	[tilespmem:$0x1B400] =	vst v63  }
0x80: {  	s30 =	simm.s32 $0xC400;
	s13 =	sadd.s32 $0x1080, s25  }
0x81: {  	[tilespmem:s30], [sflag:$0x2] =	stream.indirect.gather [hbm4b:s3+s10], $0x20, s13, s10, $0xb8;
	[tilespmem:$0x1B400] =	vst v63  }
0x82: {  	s13 =	sadd.s32 $0x1100, s25;
	s30 =	simm.s32 $0xD400  }
0x83: {  	[tilespmem:s30], [sflag:$0x2] =	stream.indirect.gather [hbm4b:s3+s10], $0x20, s13, s10, $0xb8;
	[tilespmem:$0x1B400] =	vst v63  }
0x84: {  	s13 =	sadd.s32 $0x1180, s25;
	s30 =	simm.s32 $0xE400  }
0x85: {  	[tilespmem:s30], [sflag:$0x2] =	stream.indirect.gather [hbm4b:s3+s10], $0x20, s13, s10, $0xb8;
	[tilespmem:$0x1B400] =	vst v63  }
0x86: {  	s13 =	sadd.s32 $0x1200, s25;
	s30 =	simm.s32 $0xF400  }
0x87: {  	[tilespmem:s30], [sflag:$0x2] =	stream.indirect.gather [hbm4b:s3+s10], $0x20, s13, s10, $0xb8;
	[tilespmem:$0x1B400] =	vst v63  }
0x88: {  	s13 =	sadd.s32 $0x1280, s25;
	s30 =	simm.s32 $0x10400  }
0x89: {  	[tilespmem:s30], [sflag:$0x2] =	stream.indirect.gather [hbm4b:s3+s10], $0x20, s13, s10, $0xb8;
	[tilespmem:$0x1B400] =	vst v63  }
0x8a: {  	s13 =	sadd.s32 $0x1300, s25;
	s30 =	simm.s32 $0x11400  }
0x8b: {  	[tilespmem:s30], [sflag:$0x2] =	stream.indirect.gather [hbm4b:s3+s10], $0x20, s13, s10, $0xb8;
	[tilespmem:$0x1B400] =	vst v63  }
0x8c: {  	s13 =	sadd.s32 $0x1380, s25;
	s30 =	simm.s32 $0x12400  }
0x8d: {  	[tilespmem:s30], [sflag:$0x2] =	stream.indirect.gather [hbm4b:s3+s10], $0x20, s13, s10, $0xb8;
	[tilespmem:$0x1B400] =	vst v63  }
0x8e: {  	_ =	swait.ge [sflag:s19], $0x8000  }
0x8f: {  	[sflag:s19] =	ssyncset.done $0x0  }
0x90: {  	s30 =	sadd.s32 s28, s6;
	[sflag:s19] =	ssyncadd.s32 $0xFFFF8000  }
0x91: {  	[hbm4b:s30+s2] =	stream.linear.scatter [tilespmem:s1], [sflag:$0x6], $0x8000, $0x38;
	[tilespmem:$0x1B400] =	vst v63  }
0x92: {  	_ =	swait.ge [sflag:s0], $0x8000  }
0x93: {  	[sflag:s0] =	ssyncset.done $0x0  }
0x94: {  	s30 =	sadd.s32 $0x1400, s25;
	[sflag:s0] =	ssyncadd.s32 $0xFFFF8000  }
0x95: {  	[tilespmem:s1], [sflag:$0x3] =	stream.indirect.gather [hbm4b:s3+s10], $0x20, s30, s10, $0xb8;
	[tilespmem:$0x1B400] =	vst v63  }
0x96: {  	s13 =	sadd.s32 $0x1480, s25;
	s30 =	simm.s32 $0x14400  }
0x97: {  	[tilespmem:s30], [sflag:$0x3] =	stream.indirect.gather [hbm4b:s3+s10], $0x20, s13, s10, $0xb8;
	[tilespmem:$0x1B400] =	vst v63  }
0x98: {  	s13 =	sadd.s32 $0x1500, s25;
	s30 =	simm.s32 $0x15400  }
0x99: {  	[tilespmem:s30], [sflag:$0x3] =	stream.indirect.gather [hbm4b:s3+s10], $0x20, s13, s10, $0xb8;
	[tilespmem:$0x1B400] =	vst v63  }
0x9a: {  	s13 =	sadd.s32 $0x1580, s25;
	s30 =	simm.s32 $0x16400  }
0x9b: {  	[tilespmem:s30], [sflag:$0x3] =	stream.indirect.gather [hbm4b:s3+s10], $0x20, s13, s10, $0xb8;
	[tilespmem:$0x1B400] =	vst v63  }
0x9c: {  	s13 =	sadd.s32 $0x1600, s25;
	s30 =	simm.s32 $0x17400  }
0x9d: {  	[tilespmem:s30], [sflag:$0x3] =	stream.indirect.gather [hbm4b:s3+s10], $0x20, s13, s10, $0xb8;
	[tilespmem:$0x1B400] =	vst v63  }
0x9e: {  	s30 =	sadd.s32 $0x1680, s25  }
0x9f: {  	[tilespmem:s21], [sflag:$0x3] =	stream.indirect.gather [hbm4b:s3+s10], $0x20, s30, s10, $0xb8;
	[tilespmem:$0x1B400] =	vst v63  }
.Ltmp6:
0xa0: {  	_ = 	snop;
	(pc) =	sbr.rel .LBB2_6-.Ltmp6, $4  }
0xa1: {  	s30 =	sadd.s32 $0x1700, s25  }
0xa2: {  	[tilespmem:s4], [sflag:$0x3] =	stream.indirect.gather [hbm4b:s3+s10], $0x20, s30, s10, $0xb8;
	[tilespmem:$0x1B400] =	vst v63  }
0xa3: {  	s30 =	sadd.s32 $0x1780, s25  }
0xa4: {  	[tilespmem:s5], [sflag:$0x3] =	stream.indirect.gather [hbm4b:s3+s10], $0x20, s30, s10, $0xb8;
	[tilespmem:$0x1B400] =	vst v63  }
.LBB2_8:
0xa5: {  	_ =	sfence.sel $0x180000  }
0xa6: {  	[bflag:$0x0] =	sbarrier.arrive $0xFFFF  }
0xa7: {  	_ =	strace $0x90000047  }
0xa8: {  	s0 =	stileid.u32;
	[bflag:$0x2] =	sbarrier.arrive $0xFFFF  }
0xa9: {  	p0 =	sne.s32 s0, $0x0;
	s0 =	rddreg [dreg:$0x2]  }
0xaa: {  	s0 =	sadd.s32 @!p0 $0x100000, s0  }
0xab: {  	[sflag:s0] =	ssyncadd.tile.s32 @!p0 $0x1;
	_ =	shalt  }
.Lfunc_end2:
_tile_overlayer_lowered:
.L_overlay_start_2:
0xac: {  	(tag) =	ssettag $0x2  }
0xad: {  	s0 =	rddreg [dreg:$0x0];
	s2 =	stileid.u32  }
0xae: {  	s1 =	rddreg [dreg:$0x1];
	p0 =	sne.s32 s2, $0x0  }
0xaf: {  	s3 =	rddreg [dreg:$0x2];
	[bflag:$0x3] =	sbarrier.arrive $0xFFFF;
	s2 =	simm.s32 @!p0 $0x1C07  }
0xb0: {  	[timem:s3], [sflag:s2] =	dma.local @!p0 [hbm:s0], s1  }
0xb1: {  	s0 =	simm.s32 @!p0 $0x7  }
0xb2: {  	_ =	swait.ge @!p0 [sflag:s0], s1  }
0xb3: {  	s1 =	ssub.s32 @!p0 $0x0, s1;
	[sflag:s0] =	ssyncset.done @!p0 $0x0  }
0xb4: {  	[sflag:s0] =	ssyncadd.s32 @!p0 s1  }
0xb5: {  	[bflag:$0x3] =	sbarrier.arrive $0xFFFF  }
0xb6: {  	_ =	shalt  }

// kernel: sparse-core-data-format-call.cloned.1.call-start
scs
called_computation_lowered:
.L_overlay_start_0:
0x0: {  	s2 =	sld [smem:$0x3FD9]  }
0x1: {  	s3 =	sld [smem:$0x3FFE];
	_ =	sdelay $0x1  }
0x2: {  	s1 =	srdreg.scid  }
0x3: {  	s0 =	sand.u32 $0x1, s1  }
0x4: {  	s18 =	sshll.u32 s0, $0xA;
	s2 =	sadd.s32 s3, s2  }
0x5: {  	s2 =	sadd.s32 s2, s18  }
0x6: {  	[smem:$0x3FC6] =	sst s2  }
0x7: {  	_ = 	snop  }
0x8: {  	s2 =	sld [smem:$0x3FD0];
	(tm) =	ssettm $0x1  }
0x9: {  	s19 =	sld [smem:$0x3FFB];
	_ =	sdelay $0x3  }
0xa: {  	_ =	strace s19  }
0xb: {  	s3 =	sld [smem:$0x3FFC];
	_ =	sdelay $0x3  }
0xc: {  	_ =	strace s3  }
0xd: {  	s3 =	sld [smem:$0x3FFD];
	_ =	sdelay $0x3  }
0xe: {  	_ =	strace s3  }
0xf: {  	_ =	strace $0x8FFFFFFF  }
0x10: {  	s20 =	sld [smem:$0x3FDB];
	_ =	sdelay $0x1  }
0x11: {  	s4 =	simm.s32 $_scs_section_size  }
0x12: {  	s5 =	simm.s32 $_size__tile_overlayer_lowered;
	s6 =	simm.s32 $_tile_overlayer_lowered  }
0x13: {  	s23 =	simm.s32 $0x1BFF;
	s22 =	sshll.u32 s6, $0x1;
	s3 =	sadd.s32 s4, s20  }
0x14: {  	s7 =	simm.s32 $0x0;
	s21 =	sshll.u32 s5, $0x1;
	s5 =	sadd.s32 s22, s3  }
0x15: {  	[timem:s7], [sflag:s23] =	dma.local [hbm:s5], s21  }
0x16: {  	_ =	swait.ge [sflag:s23], s21  }
0x17: {  	s4 =	ssub.s32 $0x0, s21;
	[sflag:s23] =	ssyncset.done $0x0  }
0x18: {  	[sflag:s23] =	ssyncadd.s32 s4;
	_ =	sdelay $0x1  }
0x19: {  	s24 =	simm.s32 $0x1B8B  }
0x1a: {  	_ =	swait.ge [sflag:s24], $0x1  }
0x1b: {  	[sflag:s24] =	ssyncset.done $0x0  }
0x1c: {  	s26 =	simm.s32 $0x1B8E;
	s25 =	sld [smem:$0x3FFE];
	[sflag:s24] =	ssyncadd.s32 $0xFFFFFFFF  }
0x1d: {  	s27 =	simm.s32 $execute0_lowered;
	[smem:$0x3FD2] =	sst s26  }
0x1e: {  	s5 =	sshll.u32 s27, $0x1;
	_ =	strace $0x80000049;
	[dreg:$0x1] =	wrdreg $0xFFFFFFFF  }
0x1f: {  	s28 =	simm.s32 $_size_execute0_lowered;
	s3 =	sadd.s32 s3, s5;
	[dreg:$0x0] =	wrdreg $0x0  }
0x20: {  	s5 =	sshll.u32 s28, $0x1;
	[dreg:$0x2] =	wrdreg s3  }
0x21: {  	[dreg:$0x3] =	wrdreg s5  }
0x22: {  	[dreg:$0x4] =	wrdreg $0xC0  }
0x23: {  	_ =	task [dreg:s7], $0x5FFFF  }
0x24: {  	[dreg:$0x1] =	wrdreg $0xFFFFFFFF  }
0x25: {  	[dreg:$0x0] =	wrdreg $0x60  }
0x26: {  	[dreg:$0x2] =	wrdreg s25  }
0x27: {  	[dreg:$0x3] =	wrdreg s2  }
0x28: {  	[dreg:$0x4] =	wrdreg $0x9  }
0x29: {  	_ =	task.clear_ibuf [dreg:s7], $0x5FFFF;
	_ =	strace $0x90000049  }
0x2a: {  	s29 =	simm.s32 $0x9;
	_ =	strace $0x8000004B  }
0x2b: {  	_ =	swait.ge [sflag:s29], $0x1  }
0x2c: {  	[sflag:s29] =	ssyncadd.s32 $0xFFFFFFFF  }
0x2d: {  	_ =	strace $0x9000004B  }
0x2e: {  	_ =	sfence  }
0x2f: {  	s30 =	sld [smem:$0x0];
	_ =	sdelay $0x2  }
0x30: {  	s31 =	sshll.u32 s1, $0xD;
	s1 =	sshrl.u32 s1, $0x2  }
0x31: {  	s3 =	sand.u32 $0x4000, s31;
	s1 =	sadd.s32 s1, s30  }
0x32: {  	s0 =	sor.u32 s3, s0;
	s1 =	sshll.u32 s1, $0x11  }
0x33: {  	s0 =	sor.u32 s1, s0  }
0x34: {  	s0 =	sadd.s32 $0x8F2B, s0  }
0x35: {  	[sflag:s0] =	ssyncadd.remote.s32 $0x1  }
0x36: {  	_ =	sfence.sel $0xFFFF  }
0x37: {  	[dreg:$0x0] =	wrdreg $0xFFFFFFFF;
	(pc) =	sbr.abs _section_cstart, $3  }
0x38: {  	[dreg:$0x1] =	wrdreg $0xFFFFFFFF  }
0x39: {  	_ =	task.clear_ibuf [dreg:s7], $0x2FFFF;
	_ =	strace $0x9FFFFFFF  }
0x3a: {  	(tm) =	ssettm $0x7FFFFFFF  }
0x3b: {  	_ =	shalt  }
tec
execute0_lowered:
.L_overlay_start_1:
0x0: {  	(tag) =	ssettag $0x1  }
0x1: {  	s0 =	srdreg.scid  }
0x2: {  	s1 =	sshll.u32 s0, $0x4  }
0x3: {  	s6 =	rddreg [dreg:$0x0];
	s0 =	stileid.u32;
	s1 =	sand.u32 $0x10, s1  }
0x4: {  	s3 =	rddreg [dreg:$0x1];
	s1 =	sor.u32 s0, s1  }
0x5: {  	s5 =	simm.s32 $0x1;
	s31 =	simm.s32 $0x2;
	s2 =	sshll.u32 s1, $0x7  }
0x6: {  	s15 =	simm.s32 $0x0;
	s8 =	simm.s32 $0x20000;
	s4 =	ssub.s32 $0x4000, s2  }
0x7: {  	s14 =	simm.s32 $0x0;
	s9 =	simm.s32 $0x0;
	s30 =	sand.u32 $0xF80, s4  }
0x8: {  	s10 =	simm.s32 $0x0;
	s11 =	simm.s32 $0x0;
	p0 =	sne.s32 s30, $0x0  }
.Ltmp0:
0x9: {  	s7 =	sshrl.u32 s4, $0xC;
	s5 =	simm.s32 @!p0 $0x0;
	(pc) =	sbr.rel .LBB1_1-.Ltmp0, $4  }
0xa: {  	s13 =	simm.s32 $0x0;
	s1 =	rddreg [dreg:$0x2];
	s5 =	sadd.s32 s5, s7  }
0xb: {  	_ =	strace $0x8000004A;
	s4 =	simm.s32 $0x1;
	s5 =	smul.u32 $0x7, s5  }
0xc: {  	s6 =	sadd.s32 $0xA00, s6;
	s12 =	smov.u32 s2;
	[sflag:s4] =	ssyncpa.u1 $0x0  }
0xd: {  	[sflag:s31] =	ssyncpa.u1 $0x0;
	p0 =	por $0x0, $0x0;
	s7 =	sadd.s32 $0x1, s5  }
.LBB1_4:
0xe: {  	s20 =	sshra.s32 s20, $0x2  }
0xf: {  	s28 =	sand.u32 $0x78, s10;
	s21 =	sshll.u32 s9, $0xE;
	s22 =	sshll.u32 s10, $0x3  }
0x10: {  	s24 =	sshll.u32 s9, $0x7;
	p1 =	sgt.s32 s9, $0x2C0;
	s30 =	sshra.s32 s9, $0x1F  }
0x11: {  	s26 =	sshra.s32 s10, $0x1F;
	s19 =	sadd.s32 s20, s19;
	s21 =	sand.u32 $0xFFFE0000, s21  }
0x12: {  	v5 =	vld [tilespmem:s17+$0xFFFFFFD0];
	[tilespmem:s18+$0x2040 ss:$0x81] =	vst.msk $0xffff, v4;
	s23 =	sand.u32 $0xFFFFFC00, s22;
	s29 =	sand.u32 $0x380, s24;
	s22 =	sand.u32 $0x3C00, s22  }
0x13: {  	v58 =	vld [tilespmem:s17+$0xFFFFFFE0];
	[tilespmem:s18+$0x2850 ss:$0x81] =	vst.msk $0xffff, v3;
	s21 =	sadd.s32 s23, s21;
	s20 =	sor.u32 s28, s22;
	s22 =	smov.u32 s9  }
0x14: {  	v59 =	vld [tilespmem:s17+$0xFFFFFFF0];
	[tilespmem:s18+$0x3060 ss:$0x81] =	vst.msk $0xffff, v2;
	s24 =	sand.u32 s30, s9;
	s21 =	sshrl.u32 s21, $0xE;
	s22 =	simm.s32 @!p1 $0x2C0  }
0x15: {  	v60 =	vld [tilespmem:s17+$0x0];
	[tilespmem:s18+$0x0 ss:$0x81] =	vst.msk $0xffff, v1;
	p1 =	sgt.s32 s10, $0x3F80;
	s31 =	ssub.s32 s22, s24;
	s22 =	smov.u32 s10  }
0x16: {  	v61 =	vld [tilespmem:s17+$0x10];
	[tilespmem:s19+$0x3870 ss:$0x81] =	vst.msk $0xffff, v0;
	s25 =	smulhi.u32 $0x4EC4ED, s21;
	s24 =	sand.u32 s26, s10;
	s22 =	simm.s32 @!p1 $0x3F80  }
0x17: {  	v62 =	vld [tilespmem:s17+$0x20];
	s20 =	sor.u32 s29, s20;
	[tilespmem:s19+$0x810 ss:$0x81] =	vst.msk $0xffff, v5;
	s27 =	sadd.s32 $0xFFFFFD40, s31;
	s22 =	ssub.s32 s22, s24  }
0x18: {  	v63 =	vld [tilespmem:s17+$0xFFFFFFC0];
	[tilespmem:s19+$0x1020 ss:$0x81] =	vst.msk $0xffff, v58;
	s18 =	ssub.s32 $0x340, s31;
	s28 =	smul.u32 $0x340, s25;
	s29 =	sadd.s32 $0xFFFFC080, s22  }
0x19: {  	[tilespmem:s19+$0x1830 ss:$0x81] =	vst.msk $0xffff, v59;
	p1 =	sgt.s32 s27, $0x7F;
	s22 =	ssub.s32 $0x4000, s22;
	p2 =	sgt.s32 s29, $0x7F  }
0x1a: {  	s30 =	sand.u32 $0x7, s10;
	[tilespmem:s19+$0x2040 ss:$0x81] =	vst.msk $0xffff, v60;
	s18 =	simm.s32 @p1 $0x0;
	s22 =	simm.s32 @p2 $0x0  }
0x1b: {  	s20 =	sshrl.u32 s20, $0x3;
	[tilespmem:s19+$0x2850 ss:$0x81] =	vst.msk $0xffff, v61;
	s17 =	ssub.s32 s21, s28;
	s18 =	smul.u32 s22, s18  }
0x1c: {  	[tilespmem:s19+$0x3060 ss:$0x81] =	vst.msk $0xffff, v62;
	s20 =	sadd.s32 s3, s20;
	s21 =	sshll.u32 s30, $0x12;
	s17 =	sshll.u32 s17, $0xB  }
0x1d: {  	[tilespmem:s19+$0x0 ss:$0x81] =	vst.msk $0xffff, v63;
	s31 =	sor.u32 $0x400, s21;
	s17 =	sadd.s32 s17, s20;
	s18 =	sand.u32 $0x3FFFFFFF, s18  }
0x1e: {  	[hbm4b:s17+s31] =	stream.strided.scatter [tilespmem:s16], [sflag:$0x2], s18, s8, s31, $0x20;
	[tilespmem:$0x10100] =	vst v63  }
.LBB1_5:
0x1f: {  	p1 =	slt.u32 s13, $0x2  }
0x20: {  	s17 =	smov.u32 s15;
	p2 =	sgt.s32 @!p1 s15, $0x2C0;
	s16 =	sshra.s32 @!p1 s15, $0x1F  }
0x21: {  	p3 =	sgt.s32 @!p1 s14, $0x3F80;
	s18 =	sshra.s32 @!p1 s14, $0x1F;
	p2 =	por !p2, p1  }
0x22: {  	s15 =	sand.u32 @!p1 s16, s15;
	p3 =	por !p3, p1;
	s16 =	smov.u32 s14  }
0x23: {  	s14 =	sand.u32 @!p1 s18, s14;
	s17 =	simm.s32 @p2 $0x2C0;
	s16 =	simm.s32 @p3 $0x3F80  }
0x24: {  	s15 =	ssub.s32 @!p1 s17, s15;
	s14 =	ssub.s32 @!p1 s16, s14  }
0x25: {  	s18 =	smov.u32 s12;
	s16 =	sadd.s32 @!p1 $0xFFFFFD40, s15;
	s17 =	sadd.s32 @!p1 $0xFFFFC080, s14  }
0x26: {  	s15 =	ssub.s32 @!p1 $0x340, s15;
	p2 =	sgt.s32 @!p1 s16, $0x7F;
	p3 =	sgt.s32 @!p1 s17, $0x7F  }
0x27: {  	s14 =	ssub.s32 @!p1 $0x4000, s14;
	p2 =	por !p2, p1;
	p3 =	por !p3, p1  }
0x28: {  	s16 =	sadd.s32 $0x80, s11;
	s15 =	simm.s32 @!p2 $0x0;
	s14 =	simm.s32 @!p3 $0x0  }
0x29: {  	p2 =	sgt.s32 s16, $0x33F;
	s14 =	smul.u32 @!p1 s14, s15;
	s15 =	sadd.s32 $0x1000, s12  }
0x2a: {  	s18 =	smov.u32 @p2 s15  }
0x2b: {  	s16 =	simm.s32 @p2 $0x0;
	p2 =	sgt.s32 s18, $0x3FFF  }
0x2c: {  	s18 =	smov.u32 @p2 s2;
	p2 =	sne.s32 s13, s7  }
.Ltmp1:
0x2d: {  	p0 =	por !p0, !p0;
	s17 =	simm.s32 @!p1 $0x2;
	(pc) =	sbr.rel @!p2 .LBB1_6-.Ltmp1, $4  }
0x2e: {  	s15 =	smov.u32 s9;
	s9 =	smov.u32 s11;
	s14 =	sand.u32 @!p1 $0x3FFFFFFF, s14  }
0x2f: {  	s11 =	smov.u32 s16;
	_ =	swait.ge @!p1 [sflag:s17], s14;
	s19 =	ssub.s32 @!p1 $0x0, s14  }
0x30: {  	s14 =	smov.u32 s10;
	s13 =	sadd.s32 $0x1, s13;
	[sflag:s17] =	ssyncset.done @!p1 $0x0  }
0x31: {  	s10 =	smov.u32 s12;
	s12 =	smov.u32 s18;
	[sflag:s17] =	ssyncadd.s32 @!p1 s19  }
.LBB1_1:
0x32: {  	p1 =	sge.u32 s13, s5  }
0x33: {  	s16 =	sshrl.u32 @!p1 s12, $0x3  }
0x34: {  	s17 =	sshll.u32 @!p1 s11, $0x3;
	s16 =	smul.u32 @!p1 $0x1C00, s16  }
0x35: {  	s18 =	sshll.u32 @!p1 s12, $0x7;
	s17 =	sand.u32 @!p1 $0xFFFFFC00, s17  }
0x36: {  	s16 =	sadd.s32 @!p1 s16, s17;
	s17 =	sand.u32 @!p1 $0x380, s18  }
0x37: {  	s16 =	sor.u32 @!p1 s17, s16  }
0x38: {  	s17 =	sshrl.u32 @!p1 s16, $0x7  }
0x39: {  	s17 =	smulhi.u32 @!p1 $0x24924925, s17;
	_ =	sdelay $0x1  }
0x3a: {  	s18 =	sand.u32 @!p1 $0x7F, s11;
	s19 =	smul.u32 @!p1 $0x380, s17  }
0x3b: {  	s31 =	sadd.s32 $0xFFFFFFFF, s13;
	s16 =	sor.u32 @!p1 s18, s16;
	s18 =	sxor.u32 @!p1 $0xFFFFFFFF, s13  }
0x3c: {  	s18 =	sshll.u32 @!p1 s18, $0xE;
	s17 =	sand.u32 @!p1 $0x3FFF, s17;
	s16 =	ssub.s32 @!p1 s16, s19  }
0x3d: {  	s17 =	smul.u32 @!p1 $0x70, s17;
	s19 =	sshrl.u32 @!p1 s16, $0x3;
	s16 =	sand.u32 @!p1 $0x7, s16  }
0x3e: {  	s18 =	sand.u32 @!p1 $0x4000, s18;
	s19 =	sadd.s32 @!p1 s6, s19;
	s16 =	sshll.u32 @!p1 s16, $0x12  }
0x3f: {  	s17 =	sadd.s32 @!p1 s17, s19;
	s16 =	sor.u32 @!p1 $0x400, s16;
	s19 =	simm.s32 @!p1 $0x1C00  }
0x40: {  	[tilespmem:s18], [sflag:$0x1] =	stream.strided.gather @!p1 [hbm4b:s17+s16], $0x4000, s19, s16, $0x38;
	[tilespmem:$0x10100] =	vst v63  }
0x41: {  	p1 =	sge.u32 s31, s5  }
.Ltmp2:
0x42: {  	_ = 	snop;
	(pc) =	sbr.rel @p1 .LBB1_5-.Ltmp2, $1  }
0x43: {  	_ =	sdelay $0x3  }
0x44: {  	s16 =	simm.s32 $0x1  }
0x45: {  	_ =	swait.ge [sflag:s4], $0x4000;
	s16 =	simm.s32 @!p0 $0x0  }
0x46: {  	[sflag:s4] =	ssyncset.done $0x0;
	s17 =	sshll.u32 s16, $0xE  }
0x47: {  	[sflag:s4] =	ssyncadd.s32 $0xFFFFC000;
	s17 =	sor.u32 $0x40, s17  }
0x48: {  	s16 =	smul.u32 $0x10200, s16;
	v0 =	vld [tilespmem:s17+$0x30]  }
0x49: {  	v1 =	vld [tilespmem:s17+$0xFFFFFFD0]  }
0x4a: {  	s16 =	sshrl.u32 s16, $0x2;
	v5 =	vld [tilespmem:s17+$0xFFFFFFE0]  }
0x4b: {  	v6 =	vld [tilespmem:s17+$0xFFFFFFF0];
	s19 =	sor.u32 $0x8000, s16  }
0x4c: {  	s31 =	sand.u32 $0x1, s13;
	v4 =	vld [tilespmem:s17+$0x0];
	s18 =	sadd.s32 $0x0, s19  }
0x4d: {  	v3 =	vld [tilespmem:s17+$0x10];
	s16 =	smul.u32 $0x10200, s31;
	[tilespmem:s18+$0x3870 ss:$0x81] =	vst.msk $0xffff, v0  }
0x4e: {  	v2 =	vld [tilespmem:s17+$0x20];
	[tilespmem:s18+$0x810 ss:$0x81] =	vst.msk $0xffff, v1  }
0x4f: {  	s16 =	sshrl.u32 s16, $0x2;
	v1 =	vld [tilespmem:s17+$0xFFFFFFC0];
	[tilespmem:s18+$0x1020 ss:$0x81] =	vst.msk $0xffff, v5;
	s17 =	sadd.s32 $0x80, s17  }
0x50: {  	s20 =	simm.s32 $0x4;
	s21 =	simm.s32 $0x8;
	s16 =	sor.u32 $0x8000, s16;
	[tilespmem:s18+$0x1830 ss:$0x81] =	vst.msk $0xffff, v6;
	v0 =	vld [tilespmem:s17+$0x30]  }
.LBB1_3:
0x51: {  	p1 =	sne.s32 s21, $0x1FC;
	v5 =	vld [tilespmem:s17+$0xFFFFFFD0];
	[tilespmem:s18+$0x2040 ss:$0x81] =	vst.msk $0xffff, v4  }
0x52: {  	v6 =	vld [tilespmem:s17+$0xFFFFFFE0];
	[tilespmem:s18+$0x2850 ss:$0x81] =	vst.msk $0xffff, v3  }
0x53: {  	s22 =	sshra.s32 s20, $0x2;
	s20 =	smov.u32 s21;
	v7 =	vld [tilespmem:s17+$0xFFFFFFF0];
	[tilespmem:s18+$0x3060 ss:$0x81] =	vst.msk $0xffff, v2  }
.Ltmp3:
0x54: {  	v4 =	vld [tilespmem:s17+$0x0];
	[tilespmem:s18+$0x0 ss:$0x81] =	vst.msk $0xffff, v1;
	s18 =	sadd.s32 s22, s19;
	(pc) =	sbr.rel @p1 .LBB1_3-.Ltmp3, $4  }
0x55: {  	v3 =	vld [tilespmem:s17+$0x10];
	[tilespmem:s18+$0x3870 ss:$0x81] =	vst.msk $0xffff, v0  }
0x56: {  	[tilespmem:s18+$0x810 ss:$0x81] =	vst.msk $0xffff, v5;
	v2 =	vld [tilespmem:s17+$0x20]  }
0x57: {  	v1 =	vld [tilespmem:s17+$0xFFFFFFC0];
	[tilespmem:s18+$0x1020 ss:$0x81] =	vst.msk $0xffff, v6;
	s17 =	sadd.s32 $0x80, s17  }
0x58: {  	s21 =	sadd.s32 $0x4, s21;
	v0 =	vld [tilespmem:s17+$0x30];
	[tilespmem:s18+$0x1830 ss:$0x81] =	vst.msk $0xffff, v7  }
.Ltmp4:
0x59: {  	_ = 	snop;
	(pc) =	sbr.rel .LBB1_4-.Ltmp4, $1  }
0x5a: {  	_ =	sdelay $0x3  }
.LBB1_6:
0x5b: {  	_ =	sfence.sel $0x180000  }
0x5c: {  	s2 =	simm.s32 $0x1;
	[bflag:$0x0] =	sbarrier.arrive $0xFFFF  }
0x5d: {  	s31 =	simm.s32 $0x2;
	[sflag:s2] =	ssyncpa.u1 $0x1  }
0x5e: {  	[sflag:s31] =	ssyncpa.u1 $0x1  }
0x5f: {  	p0 =	sne.s32 s0, $0x0;
	_ =	strace $0x9000004A  }
0x60: {  	s0 =	sadd.s32 @!p0 $0x100000, s1;
	[bflag:$0x2] =	sbarrier.arrive $0xFFFF  }
0x61: {  	[sflag:s0] =	ssyncadd.tile.s32 @!p0 $0x1;
	_ =	shalt  }
.Lfunc_end1:
_tile_overlayer_lowered:
.L_overlay_start_2:
0x62: {  	(tag) =	ssettag $0x2  }
0x63: {  	s0 =	rddreg [dreg:$0x0];
	s2 =	stileid.u32  }
0x64: {  	s1 =	rddreg [dreg:$0x1];
	p0 =	sne.s32 s2, $0x0  }
0x65: {  	s3 =	rddreg [dreg:$0x2];
	[bflag:$0x3] =	sbarrier.arrive $0xFFFF;
	s2 =	simm.s32 @!p0 $0x1C01  }
0x66: {  	[timem:s3], [sflag:s2] =	dma.local @!p0 [hbm:s0], s1  }
0x67: {  	s0 =	simm.s32 @!p0 $0x1  }
0x68: {  	_ =	swait.ge @!p0 [sflag:s0], s1  }
0x69: {  	s1 =	ssub.s32 @!p0 $0x0, s1;
	[sflag:s0] =	ssyncset.done @!p0 $0x0  }
0x6a: {  	[sflag:s0] =	ssyncadd.s32 @!p0 s1  }
0x6b: {  	[bflag:$0x3] =	sbarrier.arrive $0xFFFF  }
0x6c: {  	_ =	shalt  }

</sc_bundles>
